<compile_context>
chip_gen: v7x
topology: tpu7x:2x2x1
jax: 0.10.2.dev20260603
libtpu: 0.0.44.dev20260713+nightly
codegen_flags: <defaults>
</compile_context>

<pallas_src>
import functools

import jax
import jax.numpy as jnp
from jax import lax
from jax.experimental import pallas as pl
from jax.experimental.pallas import tpu as pltpu
from jax.experimental.pallas import tpu_sc as plsc

_N = 1000000
_D = 16
_B = 4096
_REG = 0.05

_NC = 2
_NS = 16
_NW = _NC * _NS
_CPW = 4
_PACK = 4


def _sc_box_loss(nf1_rows, dis_rows, table4):
    mesh = plsc.VectorSubcoreMesh(core_axis_name="c", subcore_axis_name="s")

    @functools.partial(
        pl.kernel,
        out_type=jax.ShapeDtypeStruct((_NW, 2, 16), jnp.float32),
        mesh=mesh,
        compiler_params=pltpu.CompilerParams(use_tc_tiling_on_sc=False),
        scratch_types=[
            pltpu.VMEM((_CPW, 128), jnp.int32),
            pltpu.VMEM((_CPW, 128), jnp.int32),
            pltpu.VMEM((_CPW, 128, 128), jnp.float32),
            pltpu.VMEM((2, 16), jnp.float32),
            pltpu.SemaphoreType.DMA,
        ],
    )
    def k(nf1_hbm, dis_hbm, tab_hbm, out_hbm, idxv, ridx, rows, outv, sem):
        wid = lax.axis_index("s") * _NC + lax.axis_index("c")
        base = wid * 2
        for k2 in range(2):
            pltpu.sync_copy(nf1_hbm.at[base + k2], idxv.at[k2])
            pltpu.sync_copy(dis_hbm.at[base + k2], idxv.at[2 + k2])
        for k2 in range(_CPW):
            for m in range(8):
                sl = pl.ds(16 * m, 16)
                ridx[k2, sl] = idxv[k2, sl] >> 2
        copies = []
        for k2 in range(_CPW):
            copies.append(pltpu.async_copy(tab_hbm.at[ridx.at[k2]], rows.at[k2], sem))
        for c in copies:
            c.wait()

        def make_body(k2):
            def body(p, acc):
                ia = idxv[k2, pl.ds(2 * p, 1)][0]
                ib = idxv[k2, pl.ds(2 * p + 1, 1)][0]
                offa = (ia & (_PACK - 1)) * (2 * _D)
                offb = (ib & (_PACK - 1)) * (2 * _D)
                c1 = rows[k2, 2 * p, pl.ds(offa, _D)]
                o1 = jnp.abs(rows[k2, 2 * p, pl.ds(offa + _D, _D)])
                c2 = rows[k2, 2 * p + 1, pl.ds(offb, _D)]
                o2 = jnp.abs(rows[k2, 2 * p + 1, pl.ds(offb + _D, _D)])
                d = jnp.abs(c1 - c2)
                if k2 < 2:
                    t = jnp.maximum(d + o1 - o2, 0.0)
                else:
                    t = jnp.maximum(o1 + o2 - d, 0.0)
                return acc + t * t

            return body

        zeros = jnp.zeros((16,), jnp.float32)
        acc_in = lax.fori_loop(0, 64, make_body(0), zeros)
        acc_in = lax.fori_loop(0, 64, make_body(1), acc_in)
        acc_dis = lax.fori_loop(0, 64, make_body(2), zeros)
        acc_dis = lax.fori_loop(0, 64, make_body(3), acc_dis)
        outv[0, :] = acc_in
        outv[1, :] = acc_dis
        pltpu.sync_copy(outv, out_hbm.at[wid])

    return k(nf1_rows, dis_rows, table4)


def _tc_norm_sum(bumps_t):
    d, n = bumps_t.shape
    blk = 65536
    grid = (n + blk - 1) // blk

    def body(x_ref, o_ref):
        i = pl.program_id(0)
        x = x_ref[...]
        s = jnp.sum(x * x, axis=0, keepdims=True)
        gidx = i * blk + lax.broadcasted_iota(jnp.int32, (1, blk), 1)
        s = jnp.where(gidx < n, s, 0.0)
        part = jnp.sum(jnp.sqrt(s))

        @pl.when(i == 0)
        def _():
            o_ref[...] = jnp.zeros_like(o_ref)

        o_ref[...] += part

    return pl.pallas_call(
        body,
        grid=(grid,),
        in_specs=[pl.BlockSpec((d, blk), lambda i: (0, i))],
        out_specs=pl.BlockSpec((1, 1), lambda i: (0, 0)),
        out_shape=jax.ShapeDtypeStruct((1, 1), jnp.float32),
    )(bumps_t)


def kernel(nf1, disjoint, class_embeds, bumps):
    nf1_rows = nf1.reshape(_NW * 2, 128)
    dis_rows = disjoint.reshape(_NW * 2, 128)
    table4 = class_embeds.reshape(_N * 2 * _D // 128, 128)
    parts = _sc_box_loss(nf1_rows, dis_rows, table4)
    nsum = _tc_norm_sum(bumps.T)
    incl = jnp.sum(parts[:, 0, :]) / _B
    dis = jnp.sum(parts[:, 1, :]) / _B
    return incl + dis + _REG * nsum[0, 0] / _N

# --- scband reference (transcript-rebuilt; emitter-appended) ---
"""Pipeline reference for scband-box-squared-el-4896262718174 (READ-ONLY COPY).

The authoritative reference and input builder live on the scoring server;
editing this copy changes nothing except your own understanding.
"""

import jax, jax.numpy as jnp
import numpy as np

NUM_CLASSES = 1000000
DIM = 16
B = 4096
MARGIN = 0.0
REG_FACTOR = 0.05


def _init_table(key, n, d):
    w = jax.random.uniform(key, (n, d), minval=-1.0, maxval=1.0, dtype=jnp.float32)
    w = w / jnp.linalg.norm(w, axis=1, keepdims=True)
    return w


def setup_inputs(seed: int = 0) -> dict:
    key = jax.random.key(seed)
    k1, k2, k3, k4 = jax.random.split(key, 4)
    nf1 = jax.random.randint(k1, (B, 2), 0, NUM_CLASSES, dtype=jnp.int32)
    disjoint = jax.random.randint(k2, (B, 2), 0, NUM_CLASSES, dtype=jnp.int32)
    class_embeds = _init_table(k3, NUM_CLASSES, DIM * 2)
    bumps = _init_table(k4, NUM_CLASSES, DIM)
    return {"nf1": nf1, "disjoint": disjoint, "class_embeds": class_embeds, "bumps": bumps}


def reference(nf1, disjoint, class_embeds, bumps):
    def get_boxes(e):
        return e[:, :DIM], jnp.abs(e[:, DIM:])

    # nf1 inclusion loss
    e_c = jnp.take(class_embeds, nf1[:, 0], axis=0)
    e_d = jnp.take(class_embeds, nf1[:, 1], axis=0)
    c1, o1 = get_boxes(e_c)
    c2, o2 = get_boxes(e_d)
    diffs = jnp.abs(c1 - c2)
    incl = jnp.linalg.norm(jax.nn.relu(diffs + o1 - o2 - MARGIN), axis=1).reshape(-1, 1)
    loss = jnp.mean(jnp.square(incl))

    # nf2 disjoint loss
    e_c = jnp.take(class_embeds, disjoint[:, 0], axis=0)
    e_d = jnp.take(class_embeds, disjoint[:, 1], axis=0)
    c1, o1 = get_boxes(e_c)
    c2, o2 = get_boxes(e_d)
    diffs = jnp.abs(c1 - c2)
    dis = jnp.linalg.norm(jax.nn.relu(-diffs + o1 + o2 - MARGIN), axis=1).reshape(-1, 1)
    loss = loss + jnp.mean(jnp.square(dis))

    # class regularizer over full bumps table
    class_reg = REG_FACTOR * jnp.mean(jnp.linalg.norm(bumps, axis=1).reshape(-1, 1))
    loss = loss + class_reg
    return loss

if __name__ == "__main__":
    import jax
    _d = setup_inputs()
    print(jax.jit(kernel)(*tuple(_d.values())))

</pallas_src>

<mosaic_0001>
#map = affine_map<(d0, d1) -> (0, 0)>
#map1 = affine_map<(d0, d1) -> (0, 0, 0)>
module attributes {stable_mosaic.version = 14 : i64} {
  func.func @k(%arg0: i32, %arg1: i32, %arg2: memref<64x128xi32, #tpu.memory_space<hbm>>, %arg3: memref<64x128xi32, #tpu.memory_space<hbm>>, %arg4: memref<250000x128xf32, #tpu.memory_space<hbm>>, %arg5: memref<32x2x16xf32, #tpu.memory_space<hbm>>, %arg6: memref<4x128xi32, #tpu.memory_space<vmem>>, %arg7: memref<4x128xi32, #tpu.memory_space<vmem>>, %arg8: memref<4x128x128xf32, #tpu.memory_space<vmem>>, %arg9: memref<2x16xf32, #tpu.memory_space<vmem>>, %arg10: memref<!tpu.dma_semaphore, #tpu.memory_space<semaphore_mem>>) attributes {dimension_semantics = [#tpu.dimension_semantics<core_parallel>, #tpu.dimension_semantics<subcore_parallel>], iteration_bounds = array<i64: 2, 16>, scalar_prefetch = 0 : i64, scratch_operands = 5 : i64, tpu.core_type = #tpu.core_type<sc_vector_subcore>, window_params = [{transform_indices = #map}, {transform_indices = #map}, {transform_indices = #map}, {transform_indices = #map1}]} {
    %mul3A = arith.constant 2 : i32
    %mul3A_0 = arith.muli %arg1, %mul3A : i32
    %add3A = arith.addi %mul3A_0, %arg0 : i32
    %mul3A_1 = arith.constant 2 : i32
    %mul3A_2 = arith.muli %add3A, %mul3A_1 : i32
    %add3A_3 = arith.constant 0 : i32
    %add3A_4 = arith.addi %mul3A_2, %add3A_3 : i32
    %run_scoped3A = arith.constant 0 : i32
    "tpu.region"() ({
      %run_scoped3A_589 = tpu.sem_alloc : memref<!tpu.dma_semaphore, #tpu.memory_space<semaphore_mem>>
      %dma_start3A_590 = arith.constant 0 : i32
      %dma_start3A_591 = tpu.memref_slice %arg6[%run_scoped3A, %dma_start3A_590] : memref<4x128xi32, #tpu.memory_space<vmem>> -> memref<1x128xi32, #tpu.memory_space<vmem>>
      %dma_start3A_592 = tpu.memref_squeeze %dma_start3A_591 : memref<1x128xi32, #tpu.memory_space<vmem>> -> memref<128xi32, #tpu.memory_space<vmem>>
      %dma_start3A_593 = arith.constant 0 : i32
      %dma_start3A_594 = tpu.memref_slice %arg2[%add3A_4, %dma_start3A_593] : memref<64x128xi32, #tpu.memory_space<hbm>> -> memref<1x128xi32, #tpu.memory_space<hbm>>
      %dma_start3A_595 = tpu.memref_squeeze %dma_start3A_594 : memref<1x128xi32, #tpu.memory_space<hbm>> -> memref<128xi32, #tpu.memory_space<hbm>>
      %dma_start3A_596 = arith.constant 0 : i32
      %dma_start3A_597 = tpu.memref_slice %arg6[%run_scoped3A, %dma_start3A_596] : memref<4x128xi32, #tpu.memory_space<vmem>> -> memref<1x128xi32, #tpu.memory_space<vmem>>
      %dma_start3A_598 = tpu.memref_squeeze %dma_start3A_597 : memref<1x128xi32, #tpu.memory_space<vmem>> -> memref<128xi32, #tpu.memory_space<vmem>>
      %dma_start3A_599 = arith.constant 0 : i32
      %dma_start3A_600 = tpu.memref_slice %arg2[%add3A_4, %dma_start3A_599] : memref<64x128xi32, #tpu.memory_space<hbm>> -> memref<1x128xi32, #tpu.memory_space<hbm>>
      %dma_start3A_601 = tpu.memref_squeeze %dma_start3A_600 : memref<1x128xi32, #tpu.memory_space<hbm>> -> memref<128xi32, #tpu.memory_space<hbm>>
      tpu.enqueue_dma source(%dma_start3A_601 : memref<128xi32, #tpu.memory_space<hbm>>) target(%dma_start3A_598 : memref<128xi32, #tpu.memory_space<vmem>>) target_semaphore(%run_scoped3A_589 : memref<!tpu.dma_semaphore, #tpu.memory_space<semaphore_mem>>)
      %dma_wait3A_602 = arith.constant 0 : i32
      %dma_wait3A_603 = tpu.memref_slice %arg6[%run_scoped3A, %dma_wait3A_602] : memref<4x128xi32, #tpu.memory_space<vmem>> -> memref<1x128xi32, #tpu.memory_space<vmem>>
      %dma_wait3A_604 = tpu.memref_squeeze %dma_wait3A_603 : memref<1x128xi32, #tpu.memory_space<vmem>> -> memref<128xi32, #tpu.memory_space<vmem>>
      %dma_wait3A_605 = arith.constant 0 : i32
      %dma_wait3A_606 = tpu.memref_slice %arg2[%add3A_4, %dma_wait3A_605] : memref<64x128xi32, #tpu.memory_space<hbm>> -> memref<1x128xi32, #tpu.memory_space<hbm>>
      %dma_wait3A_607 = tpu.memref_squeeze %dma_wait3A_606 : memref<1x128xi32, #tpu.memory_space<hbm>> -> memref<128xi32, #tpu.memory_space<hbm>>
      %dma_wait3A_608 = arith.constant 0 : i32
      %dma_wait3A_609 = tpu.memref_slice %arg6[%run_scoped3A, %dma_wait3A_608] : memref<4x128xi32, #tpu.memory_space<vmem>> -> memref<1x128xi32, #tpu.memory_space<vmem>>
      %dma_wait3A_610 = tpu.memref_squeeze %dma_wait3A_609 : memref<1x128xi32, #tpu.memory_space<vmem>> -> memref<128xi32, #tpu.memory_space<vmem>>
      %dma_wait3A_611 = arith.constant 0 : i32
      %dma_wait3A_612 = tpu.memref_slice %arg2[%add3A_4, %dma_wait3A_611] : memref<64x128xi32, #tpu.memory_space<hbm>> -> memref<1x128xi32, #tpu.memory_space<hbm>>
      %dma_wait3A_613 = tpu.memref_squeeze %dma_wait3A_612 : memref<1x128xi32, #tpu.memory_space<hbm>> -> memref<128xi32, #tpu.memory_space<hbm>>
      tpu.wait_dma2 semaphore(%run_scoped3A_589 : memref<!tpu.dma_semaphore, #tpu.memory_space<semaphore_mem>>) src(%dma_wait3A_613 : memref<128xi32, #tpu.memory_space<hbm>>) dst(%dma_wait3A_610 : memref<128xi32, #tpu.memory_space<vmem>>)
      tpu.yield
    }) : () -> ()
    %add3A_5 = arith.constant 0 : i32
    %add3A_6 = arith.addi %mul3A_2, %add3A_5 : i32
    %run_scoped3A_7 = arith.constant 2 : i32
    "tpu.region"() ({
      %run_scoped3A_589 = tpu.sem_alloc : memref<!tpu.dma_semaphore, #tpu.memory_space<semaphore_mem>>
      %dma_start3A_590 = arith.constant 0 : i32
      %dma_start3A_591 = tpu.memref_slice %arg6[%run_scoped3A_7, %dma_start3A_590] : memref<4x128xi32, #tpu.memory_space<vmem>> -> memref<1x128xi32, #tpu.memory_space<vmem>>
      %dma_start3A_592 = tpu.memref_squeeze %dma_start3A_591 : memref<1x128xi32, #tpu.memory_space<vmem>> -> memref<128xi32, #tpu.memory_space<vmem>>
      %dma_start3A_593 = arith.constant 0 : i32
      %dma_start3A_594 = tpu.memref_slice %arg3[%add3A_6, %dma_start3A_593] : memref<64x128xi32, #tpu.memory_space<hbm>> -> memref<1x128xi32, #tpu.memory_space<hbm>>
      %dma_start3A_595 = tpu.memref_squeeze %dma_start3A_594 : memref<1x128xi32, #tpu.memory_space<hbm>> -> memref<128xi32, #tpu.memory_space<hbm>>
      %dma_start3A_596 = arith.constant 0 : i32
      %dma_start3A_597 = tpu.memref_slice %arg6[%run_scoped3A_7, %dma_start3A_596] : memref<4x128xi32, #tpu.memory_space<vmem>> -> memref<1x128xi32, #tpu.memory_space<vmem>>
      %dma_start3A_598 = tpu.memref_squeeze %dma_start3A_597 : memref<1x128xi32, #tpu.memory_space<vmem>> -> memref<128xi32, #tpu.memory_space<vmem>>
      %dma_start3A_599 = arith.constant 0 : i32
      %dma_start3A_600 = tpu.memref_slice %arg3[%add3A_6, %dma_start3A_599] : memref<64x128xi32, #tpu.memory_space<hbm>> -> memref<1x128xi32, #tpu.memory_space<hbm>>
      %dma_start3A_601 = tpu.memref_squeeze %dma_start3A_600 : memref<1x128xi32, #tpu.memory_space<hbm>> -> memref<128xi32, #tpu.memory_space<hbm>>
      tpu.enqueue_dma source(%dma_start3A_601 : memref<128xi32, #tpu.memory_space<hbm>>) target(%dma_start3A_598 : memref<128xi32, #tpu.memory_space<vmem>>) target_semaphore(%run_scoped3A_589 : memref<!tpu.dma_semaphore, #tpu.memory_space<semaphore_mem>>)
      %dma_wait3A_602 = arith.constant 0 : i32
      %dma_wait3A_603 = tpu.memref_slice %arg6[%run_scoped3A_7, %dma_wait3A_602] : memref<4x128xi32, #tpu.memory_space<vmem>> -> memref<1x128xi32, #tpu.memory_space<vmem>>
      %dma_wait3A_604 = tpu.memref_squeeze %dma_wait3A_603 : memref<1x128xi32, #tpu.memory_space<vmem>> -> memref<128xi32, #tpu.memory_space<vmem>>
      %dma_wait3A_605 = arith.constant 0 : i32
      %dma_wait3A_606 = tpu.memref_slice %arg3[%add3A_6, %dma_wait3A_605] : memref<64x128xi32, #tpu.memory_space<hbm>> -> memref<1x128xi32, #tpu.memory_space<hbm>>
      %dma_wait3A_607 = tpu.memref_squeeze %dma_wait3A_606 : memref<1x128xi32, #tpu.memory_space<hbm>> -> memref<128xi32, #tpu.memory_space<hbm>>
      %dma_wait3A_608 = arith.constant 0 : i32
      %dma_wait3A_609 = tpu.memref_slice %arg6[%run_scoped3A_7, %dma_wait3A_608] : memref<4x128xi32, #tpu.memory_space<vmem>> -> memref<1x128xi32, #tpu.memory_space<vmem>>
      %dma_wait3A_610 = tpu.memref_squeeze %dma_wait3A_609 : memref<1x128xi32, #tpu.memory_space<vmem>> -> memref<128xi32, #tpu.memory_space<vmem>>
      %dma_wait3A_611 = arith.constant 0 : i32
      %dma_wait3A_612 = tpu.memref_slice %arg3[%add3A_6, %dma_wait3A_611] : memref<64x128xi32, #tpu.memory_space<hbm>> -> memref<1x128xi32, #tpu.memory_space<hbm>>
      %dma_wait3A_613 = tpu.memref_squeeze %dma_wait3A_612 : memref<1x128xi32, #tpu.memory_space<hbm>> -> memref<128xi32, #tpu.memory_space<hbm>>
      tpu.wait_dma2 semaphore(%run_scoped3A_589 : memref<!tpu.dma_semaphore, #tpu.memory_space<semaphore_mem>>) src(%dma_wait3A_613 : memref<128xi32, #tpu.memory_space<hbm>>) dst(%dma_wait3A_610 : memref<128xi32, #tpu.memory_space<vmem>>)
      tpu.yield
    }) : () -> ()
    %add3A_8 = arith.constant 1 : i32
    %add3A_9 = arith.addi %mul3A_2, %add3A_8 : i32
    %run_scoped3A_10 = arith.constant 1 : i32
    "tpu.region"() ({
      %run_scoped3A_589 = tpu.sem_alloc : memref<!tpu.dma_semaphore, #tpu.memory_space<semaphore_mem>>
      %dma_start3A_590 = arith.constant 0 : i32
      %dma_start3A_591 = tpu.memref_slice %arg6[%run_scoped3A_10, %dma_start3A_590] : memref<4x128xi32, #tpu.memory_space<vmem>> -> memref<1x128xi32, #tpu.memory_space<vmem>>
      %dma_start3A_592 = tpu.memref_squeeze %dma_start3A_591 : memref<1x128xi32, #tpu.memory_space<vmem>> -> memref<128xi32, #tpu.memory_space<vmem>>
      %dma_start3A_593 = arith.constant 0 : i32
      %dma_start3A_594 = tpu.memref_slice %arg2[%add3A_9, %dma_start3A_593] : memref<64x128xi32, #tpu.memory_space<hbm>> -> memref<1x128xi32, #tpu.memory_space<hbm>>
      %dma_start3A_595 = tpu.memref_squeeze %dma_start3A_594 : memref<1x128xi32, #tpu.memory_space<hbm>> -> memref<128xi32, #tpu.memory_space<hbm>>
      %dma_start3A_596 = arith.constant 0 : i32
      %dma_start3A_597 = tpu.memref_slice %arg6[%run_scoped3A_10, %dma_start3A_596] : memref<4x128xi32, #tpu.memory_space<vmem>> -> memref<1x128xi32, #tpu.memory_space<vmem>>
      %dma_start3A_598 = tpu.memref_squeeze %dma_start3A_597 : memref<1x128xi32, #tpu.memory_space<vmem>> -> memref<128xi32, #tpu.memory_space<vmem>>
      %dma_start3A_599 = arith.constant 0 : i32
      %dma_start3A_600 = tpu.memref_slice %arg2[%add3A_9, %dma_start3A_599] : memref<64x128xi32, #tpu.memory_space<hbm>> -> memref<1x128xi32, #tpu.memory_space<hbm>>
      %dma_start3A_601 = tpu.memref_squeeze %dma_start3A_600 : memref<1x128xi32, #tpu.memory_space<hbm>> -> memref<128xi32, #tpu.memory_space<hbm>>
      tpu.enqueue_dma source(%dma_start3A_601 : memref<128xi32, #tpu.memory_space<hbm>>) target(%dma_start3A_598 : memref<128xi32, #tpu.memory_space<vmem>>) target_semaphore(%run_scoped3A_589 : memref<!tpu.dma_semaphore, #tpu.memory_space<semaphore_mem>>)
      %dma_wait3A_602 = arith.constant 0 : i32
      %dma_wait3A_603 = tpu.memref_slice %arg6[%run_scoped3A_10, %dma_wait3A_602] : memref<4x128xi32, #tpu.memory_space<vmem>> -> memref<1x128xi32, #tpu.memory_space<vmem>>
      %dma_wait3A_604 = tpu.memref_squeeze %dma_wait3A_603 : memref<1x128xi32, #tpu.memory_space<vmem>> -> memref<128xi32, #tpu.memory_space<vmem>>
      %dma_wait3A_605 = arith.constant 0 : i32
      %dma_wait3A_606 = tpu.memref_slice %arg2[%add3A_9, %dma_wait3A_605] : memref<64x128xi32, #tpu.memory_space<hbm>> -> memref<1x128xi32, #tpu.memory_space<hbm>>
      %dma_wait3A_607 = tpu.memref_squeeze %dma_wait3A_606 : memref<1x128xi32, #tpu.memory_space<hbm>> -> memref<128xi32, #tpu.memory_space<hbm>>
      %dma_wait3A_608 = arith.constant 0 : i32
      %dma_wait3A_609 = tpu.memref_slice %arg6[%run_scoped3A_10, %dma_wait3A_608] : memref<4x128xi32, #tpu.memory_space<vmem>> -> memref<1x128xi32, #tpu.memory_space<vmem>>
      %dma_wait3A_610 = tpu.memref_squeeze %dma_wait3A_609 : memref<1x128xi32, #tpu.memory_space<vmem>> -> memref<128xi32, #tpu.memory_space<vmem>>
      %dma_wait3A_611 = arith.constant 0 : i32
      %dma_wait3A_612 = tpu.memref_slice %arg2[%add3A_9, %dma_wait3A_611] : memref<64x128xi32, #tpu.memory_space<hbm>> -> memref<1x128xi32, #tpu.memory_space<hbm>>
      %dma_wait3A_613 = tpu.memref_squeeze %dma_wait3A_612 : memref<1x128xi32, #tpu.memory_space<hbm>> -> memref<128xi32, #tpu.memory_space<hbm>>
      tpu.wait_dma2 semaphore(%run_scoped3A_589 : memref<!tpu.dma_semaphore, #tpu.memory_space<semaphore_mem>>) src(%dma_wait3A_613 : memref<128xi32, #tpu.memory_space<hbm>>) dst(%dma_wait3A_610 : memref<128xi32, #tpu.memory_space<vmem>>)
      tpu.yield
    }) : () -> ()
    %add3A_11 = arith.constant 1 : i32
    %add3A_12 = arith.addi %mul3A_2, %add3A_11 : i32
    %run_scoped3A_13 = arith.constant 3 : i32
    "tpu.region"() ({
      %run_scoped3A_589 = tpu.sem_alloc : memref<!tpu.dma_semaphore, #tpu.memory_space<semaphore_mem>>
      %dma_start3A_590 = arith.constant 0 : i32
      %dma_start3A_591 = tpu.memref_slice %arg6[%run_scoped3A_13, %dma_start3A_590] : memref<4x128xi32, #tpu.memory_space<vmem>> -> memref<1x128xi32, #tpu.memory_space<vmem>>
      %dma_start3A_592 = tpu.memref_squeeze %dma_start3A_591 : memref<1x128xi32, #tpu.memory_space<vmem>> -> memref<128xi32, #tpu.memory_space<vmem>>
      %dma_start3A_593 = arith.constant 0 : i32
      %dma_start3A_594 = tpu.memref_slice %arg3[%add3A_12, %dma_start3A_593] : memref<64x128xi32, #tpu.memory_space<hbm>> -> memref<1x128xi32, #tpu.memory_space<hbm>>
      %dma_start3A_595 = tpu.memref_squeeze %dma_start3A_594 : memref<1x128xi32, #tpu.memory_space<hbm>> -> memref<128xi32, #tpu.memory_space<hbm>>
      %dma_start3A_596 = arith.constant 0 : i32
      %dma_start3A_597 = tpu.memref_slice %arg6[%run_scoped3A_13, %dma_start3A_596] : memref<4x128xi32, #tpu.memory_space<vmem>> -> memref<1x128xi32, #tpu.memory_space<vmem>>
      %dma_start3A_598 = tpu.memref_squeeze %dma_start3A_597 : memref<1x128xi32, #tpu.memory_space<vmem>> -> memref<128xi32, #tpu.memory_space<vmem>>
      %dma_start3A_599 = arith.constant 0 : i32
      %dma_start3A_600 = tpu.memref_slice %arg3[%add3A_12, %dma_start3A_599] : memref<64x128xi32, #tpu.memory_space<hbm>> -> memref<1x128xi32, #tpu.memory_space<hbm>>
      %dma_start3A_601 = tpu.memref_squeeze %dma_start3A_600 : memref<1x128xi32, #tpu.memory_space<hbm>> -> memref<128xi32, #tpu.memory_space<hbm>>
      tpu.enqueue_dma source(%dma_start3A_601 : memref<128xi32, #tpu.memory_space<hbm>>) target(%dma_start3A_598 : memref<128xi32, #tpu.memory_space<vmem>>) target_semaphore(%run_scoped3A_589 : memref<!tpu.dma_semaphore, #tpu.memory_space<semaphore_mem>>)
      %dma_wait3A_602 = arith.constant 0 : i32
      %dma_wait3A_603 = tpu.memref_slice %arg6[%run_scoped3A_13, %dma_wait3A_602] : memref<4x128xi32, #tpu.memory_space<vmem>> -> memref<1x128xi32, #tpu.memory_space<vmem>>
      %dma_wait3A_604 = tpu.memref_squeeze %dma_wait3A_603 : memref<1x128xi32, #tpu.memory_space<vmem>> -> memref<128xi32, #tpu.memory_space<vmem>>
      %dma_wait3A_605 = arith.constant 0 : i32
      %dma_wait3A_606 = tpu.memref_slice %arg3[%add3A_12, %dma_wait3A_605] : memref<64x128xi32, #tpu.memory_space<hbm>> -> memref<1x128xi32, #tpu.memory_space<hbm>>
      %dma_wait3A_607 = tpu.memref_squeeze %dma_wait3A_606 : memref<1x128xi32, #tpu.memory_space<hbm>> -> memref<128xi32, #tpu.memory_space<hbm>>
      %dma_wait3A_608 = arith.constant 0 : i32
      %dma_wait3A_609 = tpu.memref_slice %arg6[%run_scoped3A_13, %dma_wait3A_608] : memref<4x128xi32, #tpu.memory_space<vmem>> -> memref<1x128xi32, #tpu.memory_space<vmem>>
      %dma_wait3A_610 = tpu.memref_squeeze %dma_wait3A_609 : memref<1x128xi32, #tpu.memory_space<vmem>> -> memref<128xi32, #tpu.memory_space<vmem>>
      %dma_wait3A_611 = arith.constant 0 : i32
      %dma_wait3A_612 = tpu.memref_slice %arg3[%add3A_12, %dma_wait3A_611] : memref<64x128xi32, #tpu.memory_space<hbm>> -> memref<1x128xi32, #tpu.memory_space<hbm>>
      %dma_wait3A_613 = tpu.memref_squeeze %dma_wait3A_612 : memref<1x128xi32, #tpu.memory_space<hbm>> -> memref<128xi32, #tpu.memory_space<hbm>>
      tpu.wait_dma2 semaphore(%run_scoped3A_589 : memref<!tpu.dma_semaphore, #tpu.memory_space<semaphore_mem>>) src(%dma_wait3A_613 : memref<128xi32, #tpu.memory_space<hbm>>) dst(%dma_wait3A_610 : memref<128xi32, #tpu.memory_space<vmem>>)
      tpu.yield
    }) : () -> ()
    %get3A = arith.constant 0 : i32
    %get3A_14 = arith.index_cast %get3A : i32 to index
    %get3A_15 = arith.constant 0 : index
    %get3A_16 = tpu.vector_load %arg6[%get3A_14, %get3A_15] {strides = array<i32>} : memref<4x128xi32, #tpu.memory_space<vmem>>, vector<1x16xi32>,
    %get3A_17 = vector.shape_cast %get3A_16 : vector<1x16xi32> to vector<16xi32>
    %shift_right_arithmetic3A = arith.constant 2 : i32
    %shift_right_arithmetic3A_18 = vector.broadcast %shift_right_arithmetic3A : i32 to vector<16xi32>
    %shift_right_arithmetic3A_19 = arith.shrsi %get3A_17, %shift_right_arithmetic3A_18 : vector<16xi32>
    %swap3A = arith.constant 0 : i32
    %swap3A_20 = arith.index_cast %swap3A : i32 to index
    %swap3A_21 = arith.constant 0 : index
    %swap3A_22 = tpu.vector_load %arg7[%swap3A_20, %swap3A_21] {strides = array<i32>} : memref<4x128xi32, #tpu.memory_space<vmem>>, vector<1x16xi32>,
    %swap3A_23 = vector.shape_cast %swap3A_22 : vector<1x16xi32> to vector<16xi32>
    %swap3A_24 = vector.shape_cast %shift_right_arithmetic3A_19 : vector<16xi32> to vector<1x16xi32>
    tpu.vector_store %arg7[%swap3A_20, %swap3A_21], %swap3A_24 {strides = array<i32>} : memref<4x128xi32, #tpu.memory_space<vmem>>, vector<1x16xi32>,
    %get3A_25 = arith.constant 0 : i32
    %get3A_26 = arith.index_cast %get3A_25 : i32 to index
    %get3A_27 = arith.constant 16 : index
    %get3A_28 = tpu.vector_load %arg6[%get3A_26, %get3A_27] {strides = array<i32>} : memref<4x128xi32, #tpu.memory_space<vmem>>, vector<1x16xi32>,
    %get3A_29 = vector.shape_cast %get3A_28 : vector<1x16xi32> to vector<16xi32>
    %shift_right_arithmetic3A_30 = arith.constant 2 : i32
    %shift_right_arithmetic3A_31 = vector.broadcast %shift_right_arithmetic3A_30 : i32 to vector<16xi32>
    %shift_right_arithmetic3A_32 = arith.shrsi %get3A_29, %shift_right_arithmetic3A_31 : vector<16xi32>
    %swap3A_33 = arith.constant 0 : i32
    %swap3A_34 = arith.index_cast %swap3A_33 : i32 to index
    %swap3A_35 = arith.constant 16 : index
    %swap3A_36 = tpu.vector_load %arg7[%swap3A_34, %swap3A_35] {strides = array<i32>} : memref<4x128xi32, #tpu.memory_space<vmem>>, vector<1x16xi32>,
    %swap3A_37 = vector.shape_cast %swap3A_36 : vector<1x16xi32> to vector<16xi32>
    %swap3A_38 = vector.shape_cast %shift_right_arithmetic3A_32 : vector<16xi32> to vector<1x16xi32>
    tpu.vector_store %arg7[%swap3A_34, %swap3A_35], %swap3A_38 {strides = array<i32>} : memref<4x128xi32, #tpu.memory_space<vmem>>, vector<1x16xi32>,
    %get3A_39 = arith.constant 0 : i32
    %get3A_40 = arith.index_cast %get3A_39 : i32 to index
    %get3A_41 = arith.constant 32 : index
    %get3A_42 = tpu.vector_load %arg6[%get3A_40, %get3A_41] {strides = array<i32>} : memref<4x128xi32, #tpu.memory_space<vmem>>, vector<1x16xi32>,
    %get3A_43 = vector.shape_cast %get3A_42 : vector<1x16xi32> to vector<16xi32>
    %shift_right_arithmetic3A_44 = arith.constant 2 : i32
    %shift_right_arithmetic3A_45 = vector.broadcast %shift_right_arithmetic3A_44 : i32 to vector<16xi32>
    %shift_right_arithmetic3A_46 = arith.shrsi %get3A_43, %shift_right_arithmetic3A_45 : vector<16xi32>
    %swap3A_47 = arith.constant 0 : i32
    %swap3A_48 = arith.index_cast %swap3A_47 : i32 to index
    %swap3A_49 = arith.constant 32 : index
    %swap3A_50 = tpu.vector_load %arg7[%swap3A_48, %swap3A_49] {strides = array<i32>} : memref<4x128xi32, #tpu.memory_space<vmem>>, vector<1x16xi32>,
    %swap3A_51 = vector.shape_cast %swap3A_50 : vector<1x16xi32> to vector<16xi32>
    %swap3A_52 = vector.shape_cast %shift_right_arithmetic3A_46 : vector<16xi32> to vector<1x16xi32>
    tpu.vector_store %arg7[%swap3A_48, %swap3A_49], %swap3A_52 {strides = array<i32>} : memref<4x128xi32, #tpu.memory_space<vmem>>, vector<1x16xi32>,
    %get3A_53 = arith.constant 0 : i32
    %get3A_54 = arith.index_cast %get3A_53 : i32 to index
    %get3A_55 = arith.constant 48 : index
    %get3A_56 = tpu.vector_load %arg6[%get3A_54, %get3A_55] {strides = array<i32>} : memref<4x128xi32, #tpu.memory_space<vmem>>, vector<1x16xi32>,
    %get3A_57 = vector.shape_cast %get3A_56 : vector<1x16xi32> to vector<16xi32>
    %shift_right_arithmetic3A_58 = arith.constant 2 : i32
    %shift_right_arithmetic3A_59 = vector.broadcast %shift_right_arithmetic3A_58 : i32 to vector<16xi32>
    %shift_right_arithmetic3A_60 = arith.shrsi %get3A_57, %shift_right_arithmetic3A_59 : vector<16xi32>
    %swap3A_61 = arith.constant 0 : i32
    %swap3A_62 = arith.index_cast %swap3A_61 : i32 to index
    %swap3A_63 = arith.constant 48 : index
    %swap3A_64 = tpu.vector_load %arg7[%swap3A_62, %swap3A_63] {strides = array<i32>} : memref<4x128xi32, #tpu.memory_space<vmem>>, vector<1x16xi32>,
    %swap3A_65 = vector.shape_cast %swap3A_64 : vector<1x16xi32> to vector<16xi32>
    %swap3A_66 = vector.shape_cast %shift_right_arithmetic3A_60 : vector<16xi32> to vector<1x16xi32>
    tpu.vector_store %arg7[%swap3A_62, %swap3A_63], %swap3A_66 {strides = array<i32>} : memref<4x128xi32, #tpu.memory_space<vmem>>, vector<1x16xi32>,
    %get3A_67 = arith.constant 0 : i32
    %get3A_68 = arith.index_cast %get3A_67 : i32 to index
    %get3A_69 = arith.constant 64 : index
    %get3A_70 = tpu.vector_load %arg6[%get3A_68, %get3A_69] {strides = array<i32>} : memref<4x128xi32, #tpu.memory_space<vmem>>, vector<1x16xi32>,
    %get3A_71 = vector.shape_cast %get3A_70 : vector<1x16xi32> to vector<16xi32>
    %shift_right_arithmetic3A_72 = arith.constant 2 : i32
    %shift_right_arithmetic3A_73 = vector.broadcast %shift_right_arithmetic3A_72 : i32 to vector<16xi32>
    %shift_right_arithmetic3A_74 = arith.shrsi %get3A_71, %shift_right_arithmetic3A_73 : vector<16xi32>
    %swap3A_75 = arith.constant 0 : i32
    %swap3A_76 = arith.index_cast %swap3A_75 : i32 to index
    %swap3A_77 = arith.constant 64 : index
    %swap3A_78 = tpu.vector_load %arg7[%swap3A_76, %swap3A_77] {strides = array<i32>} : memref<4x128xi32, #tpu.memory_space<vmem>>, vector<1x16xi32>,
    %swap3A_79 = vector.shape_cast %swap3A_78 : vector<1x16xi32> to vector<16xi32>
    %swap3A_80 = vector.shape_cast %shift_right_arithmetic3A_74 : vector<16xi32> to vector<1x16xi32>
    tpu.vector_store %arg7[%swap3A_76, %swap3A_77], %swap3A_80 {strides = array<i32>} : memref<4x128xi32, #tpu.memory_space<vmem>>, vector<1x16xi32>,
    %get3A_81 = arith.constant 0 : i32
    %get3A_82 = arith.index_cast %get3A_81 : i32 to index
    %get3A_83 = arith.constant 80 : index
    %get3A_84 = tpu.vector_load %arg6[%get3A_82, %get3A_83] {strides = array<i32>} : memref<4x128xi32, #tpu.memory_space<vmem>>, vector<1x16xi32>,
    %get3A_85 = vector.shape_cast %get3A_84 : vector<1x16xi32> to vector<16xi32>
    %shift_right_arithmetic3A_86 = arith.constant 2 : i32
    %shift_right_arithmetic3A_87 = vector.broadcast %shift_right_arithmetic3A_86 : i32 to vector<16xi32>
    %shift_right_arithmetic3A_88 = arith.shrsi %get3A_85, %shift_right_arithmetic3A_87 : vector<16xi32>
    %swap3A_89 = arith.constant 0 : i32
    %swap3A_90 = arith.index_cast %swap3A_89 : i32 to index
    %swap3A_91 = arith.constant 80 : index
    %swap3A_92 = tpu.vector_load %arg7[%swap3A_90, %swap3A_91] {strides = array<i32>} : memref<4x128xi32, #tpu.memory_space<vmem>>, vector<1x16xi32>,
    %swap3A_93 = vector.shape_cast %swap3A_92 : vector<1x16xi32> to vector<16xi32>
    %swap3A_94 = vector.shape_cast %shift_right_arithmetic3A_88 : vector<16xi32> to vector<1x16xi32>
    tpu.vector_store %arg7[%swap3A_90, %swap3A_91], %swap3A_94 {strides = array<i32>} : memref<4x128xi32, #tpu.memory_space<vmem>>, vector<1x16xi32>,
    %get3A_95 = arith.constant 0 : i32
    %get3A_96 = arith.index_cast %get3A_95 : i32 to index
    %get3A_97 = arith.constant 96 : index
    %get3A_98 = tpu.vector_load %arg6[%get3A_96, %get3A_97] {strides = array<i32>} : memref<4x128xi32, #tpu.memory_space<vmem>>, vector<1x16xi32>,
    %get3A_99 = vector.shape_cast %get3A_98 : vector<1x16xi32> to vector<16xi32>
    %shift_right_arithmetic3A_100 = arith.constant 2 : i32
    %shift_right_arithmetic3A_101 = vector.broadcast %shift_right_arithmetic3A_100 : i32 to vector<16xi32>
    %shift_right_arithmetic3A_102 = arith.shrsi %get3A_99, %shift_right_arithmetic3A_101 : vector<16xi32>
    %swap3A_103 = arith.constant 0 : i32
    %swap3A_104 = arith.index_cast %swap3A_103 : i32 to index
    %swap3A_105 = arith.constant 96 : index
    %swap3A_106 = tpu.vector_load %arg7[%swap3A_104, %swap3A_105] {strides = array<i32>} : memref<4x128xi32, #tpu.memory_space<vmem>>, vector<1x16xi32>,
    %swap3A_107 = vector.shape_cast %swap3A_106 : vector<1x16xi32> to vector<16xi32>
    %swap3A_108 = vector.shape_cast %shift_right_arithmetic3A_102 : vector<16xi32> to vector<1x16xi32>
    tpu.vector_store %arg7[%swap3A_104, %swap3A_105], %swap3A_108 {strides = array<i32>} : memref<4x128xi32, #tpu.memory_space<vmem>>, vector<1x16xi32>,
    %get3A_109 = arith.constant 0 : i32
    %get3A_110 = arith.index_cast %get3A_109 : i32 to index
    %get3A_111 = arith.constant 112 : index
    %get3A_112 = tpu.vector_load %arg6[%get3A_110, %get3A_111] {strides = array<i32>} : memref<4x128xi32, #tpu.memory_space<vmem>>, vector<1x16xi32>,
    %get3A_113 = vector.shape_cast %get3A_112 : vector<1x16xi32> to vector<16xi32>
    %shift_right_arithmetic3A_114 = arith.constant 2 : i32
    %shift_right_arithmetic3A_115 = vector.broadcast %shift_right_arithmetic3A_114 : i32 to vector<16xi32>
    %shift_right_arithmetic3A_116 = arith.shrsi %get3A_113, %shift_right_arithmetic3A_115 : vector<16xi32>
    %swap3A_117 = arith.constant 0 : i32
    %swap3A_118 = arith.index_cast %swap3A_117 : i32 to index
    %swap3A_119 = arith.constant 112 : index
    %swap3A_120 = tpu.vector_load %arg7[%swap3A_118, %swap3A_119] {strides = array<i32>} : memref<4x128xi32, #tpu.memory_space<vmem>>, vector<1x16xi32>,
    %swap3A_121 = vector.shape_cast %swap3A_120 : vector<1x16xi32> to vector<16xi32>
    %swap3A_122 = vector.shape_cast %shift_right_arithmetic3A_116 : vector<16xi32> to vector<1x16xi32>
    tpu.vector_store %arg7[%swap3A_118, %swap3A_119], %swap3A_122 {strides = array<i32>} : memref<4x128xi32, #tpu.memory_space<vmem>>, vector<1x16xi32>,
    %get3A_123 = arith.constant 1 : i32
    %get3A_124 = arith.index_cast %get3A_123 : i32 to index
    %get3A_125 = arith.constant 0 : index
    %get3A_126 = tpu.vector_load %arg6[%get3A_124, %get3A_125] {strides = array<i32>} : memref<4x128xi32, #tpu.memory_space<vmem>>, vector<1x16xi32>,
    %get3A_127 = vector.shape_cast %get3A_126 : vector<1x16xi32> to vector<16xi32>
    %shift_right_arithmetic3A_128 = arith.constant 2 : i32
    %shift_right_arithmetic3A_129 = vector.broadcast %shift_right_arithmetic3A_128 : i32 to vector<16xi32>
    %shift_right_arithmetic3A_130 = arith.shrsi %get3A_127, %shift_right_arithmetic3A_129 : vector<16xi32>
    %swap3A_131 = arith.constant 1 : i32
    %swap3A_132 = arith.index_cast %swap3A_131 : i32 to index
    %swap3A_133 = arith.constant 0 : index
    %swap3A_134 = tpu.vector_load %arg7[%swap3A_132, %swap3A_133] {strides = array<i32>} : memref<4x128xi32, #tpu.memory_space<vmem>>, vector<1x16xi32>,
    %swap3A_135 = vector.shape_cast %swap3A_134 : vector<1x16xi32> to vector<16xi32>
    %swap3A_136 = vector.shape_cast %shift_right_arithmetic3A_130 : vector<16xi32> to vector<1x16xi32>
    tpu.vector_store %arg7[%swap3A_132, %swap3A_133], %swap3A_136 {strides = array<i32>} : memref<4x128xi32, #tpu.memory_space<vmem>>, vector<1x16xi32>,
    %get3A_137 = arith.constant 1 : i32
    %get3A_138 = arith.index_cast %get3A_137 : i32 to index
    %get3A_139 = arith.constant 16 : index
    %get3A_140 = tpu.vector_load %arg6[%get3A_138, %get3A_139] {strides = array<i32>} : memref<4x128xi32, #tpu.memory_space<vmem>>, vector<1x16xi32>,
    %get3A_141 = vector.shape_cast %get3A_140 : vector<1x16xi32> to vector<16xi32>
    %shift_right_arithmetic3A_142 = arith.constant 2 : i32
    %shift_right_arithmetic3A_143 = vector.broadcast %shift_right_arithmetic3A_142 : i32 to vector<16xi32>
    %shift_right_arithmetic3A_144 = arith.shrsi %get3A_141, %shift_right_arithmetic3A_143 : vector<16xi32>
    %swap3A_145 = arith.constant 1 : i32
    %swap3A_146 = arith.index_cast %swap3A_145 : i32 to index
    %swap3A_147 = arith.constant 16 : index
    %swap3A_148 = tpu.vector_load %arg7[%swap3A_146, %swap3A_147] {strides = array<i32>} : memref<4x128xi32, #tpu.memory_space<vmem>>, vector<1x16xi32>,
    %swap3A_149 = vector.shape_cast %swap3A_148 : vector<1x16xi32> to vector<16xi32>
    %swap3A_150 = vector.shape_cast %shift_right_arithmetic3A_144 : vector<16xi32> to vector<1x16xi32>
    tpu.vector_store %arg7[%swap3A_146, %swap3A_147], %swap3A_150 {strides = array<i32>} : memref<4x128xi32, #tpu.memory_space<vmem>>, vector<1x16xi32>,
    %get3A_151 = arith.constant 1 : i32
    %get3A_152 = arith.index_cast %get3A_151 : i32 to index
    %get3A_153 = arith.constant 32 : index
    %get3A_154 = tpu.vector_load %arg6[%get3A_152, %get3A_153] {strides = array<i32>} : memref<4x128xi32, #tpu.memory_space<vmem>>, vector<1x16xi32>,
    %get3A_155 = vector.shape_cast %get3A_154 : vector<1x16xi32> to vector<16xi32>
    %shift_right_arithmetic3A_156 = arith.constant 2 : i32
    %shift_right_arithmetic3A_157 = vector.broadcast %shift_right_arithmetic3A_156 : i32 to vector<16xi32>
    %shift_right_arithmetic3A_158 = arith.shrsi %get3A_155, %shift_right_arithmetic3A_157 : vector<16xi32>
    %swap3A_159 = arith.constant 1 : i32
    %swap3A_160 = arith.index_cast %swap3A_159 : i32 to index
    %swap3A_161 = arith.constant 32 : index
    %swap3A_162 = tpu.vector_load %arg7[%swap3A_160, %swap3A_161] {strides = array<i32>} : memref<4x128xi32, #tpu.memory_space<vmem>>, vector<1x16xi32>,
    %swap3A_163 = vector.shape_cast %swap3A_162 : vector<1x16xi32> to vector<16xi32>
    %swap3A_164 = vector.shape_cast %shift_right_arithmetic3A_158 : vector<16xi32> to vector<1x16xi32>
    tpu.vector_store %arg7[%swap3A_160, %swap3A_161], %swap3A_164 {strides = array<i32>} : memref<4x128xi32, #tpu.memory_space<vmem>>, vector<1x16xi32>,
    %get3A_165 = arith.constant 1 : i32
    %get3A_166 = arith.index_cast %get3A_165 : i32 to index
    %get3A_167 = arith.constant 48 : index
    %get3A_168 = tpu.vector_load %arg6[%get3A_166, %get3A_167] {strides = array<i32>} : memref<4x128xi32, #tpu.memory_space<vmem>>, vector<1x16xi32>,
    %get3A_169 = vector.shape_cast %get3A_168 : vector<1x16xi32> to vector<16xi32>
    %shift_right_arithmetic3A_170 = arith.constant 2 : i32
    %shift_right_arithmetic3A_171 = vector.broadcast %shift_right_arithmetic3A_170 : i32 to vector<16xi32>
    %shift_right_arithmetic3A_172 = arith.shrsi %get3A_169, %shift_right_arithmetic3A_171 : vector<16xi32>
    %swap3A_173 = arith.constant 1 : i32
    %swap3A_174 = arith.index_cast %swap3A_173 : i32 to index
    %swap3A_175 = arith.constant 48 : index
    %swap3A_176 = tpu.vector_load %arg7[%swap3A_174, %swap3A_175] {strides = array<i32>} : memref<4x128xi32, #tpu.memory_space<vmem>>, vector<1x16xi32>,
    %swap3A_177 = vector.shape_cast %swap3A_176 : vector<1x16xi32> to vector<16xi32>
    %swap3A_178 = vector.shape_cast %shift_right_arithmetic3A_172 : vector<16xi32> to vector<1x16xi32>
    tpu.vector_store %arg7[%swap3A_174, %swap3A_175], %swap3A_178 {strides = array<i32>} : memref<4x128xi32, #tpu.memory_space<vmem>>, vector<1x16xi32>,
    %get3A_179 = arith.constant 1 : i32
    %get3A_180 = arith.index_cast %get3A_179 : i32 to index
    %get3A_181 = arith.constant 64 : index
    %get3A_182 = tpu.vector_load %arg6[%get3A_180, %get3A_181] {strides = array<i32>} : memref<4x128xi32, #tpu.memory_space<vmem>>, vector<1x16xi32>,
    %get3A_183 = vector.shape_cast %get3A_182 : vector<1x16xi32> to vector<16xi32>
    %shift_right_arithmetic3A_184 = arith.constant 2 : i32
    %shift_right_arithmetic3A_185 = vector.broadcast %shift_right_arithmetic3A_184 : i32 to vector<16xi32>
    %shift_right_arithmetic3A_186 = arith.shrsi %get3A_183, %shift_right_arithmetic3A_185 : vector<16xi32>
    %swap3A_187 = arith.constant 1 : i32
    %swap3A_188 = arith.index_cast %swap3A_187 : i32 to index
    %swap3A_189 = arith.constant 64 : index
    %swap3A_190 = tpu.vector_load %arg7[%swap3A_188, %swap3A_189] {strides = array<i32>} : memref<4x128xi32, #tpu.memory_space<vmem>>, vector<1x16xi32>,
    %swap3A_191 = vector.shape_cast %swap3A_190 : vector<1x16xi32> to vector<16xi32>
    %swap3A_192 = vector.shape_cast %shift_right_arithmetic3A_186 : vector<16xi32> to vector<1x16xi32>
    tpu.vector_store %arg7[%swap3A_188, %swap3A_189], %swap3A_192 {strides = array<i32>} : memref<4x128xi32, #tpu.memory_space<vmem>>, vector<1x16xi32>,
    %get3A_193 = arith.constant 1 : i32
    %get3A_194 = arith.index_cast %get3A_193 : i32 to index
    %get3A_195 = arith.constant 80 : index
    %get3A_196 = tpu.vector_load %arg6[%get3A_194, %get3A_195] {strides = array<i32>} : memref<4x128xi32, #tpu.memory_space<vmem>>, vector<1x16xi32>,
    %get3A_197 = vector.shape_cast %get3A_196 : vector<1x16xi32> to vector<16xi32>
    %shift_right_arithmetic3A_198 = arith.constant 2 : i32
    %shift_right_arithmetic3A_199 = vector.broadcast %shift_right_arithmetic3A_198 : i32 to vector<16xi32>
    %shift_right_arithmetic3A_200 = arith.shrsi %get3A_197, %shift_right_arithmetic3A_199 : vector<16xi32>
    %swap3A_201 = arith.constant 1 : i32
    %swap3A_202 = arith.index_cast %swap3A_201 : i32 to index
    %swap3A_203 = arith.constant 80 : index
    %swap3A_204 = tpu.vector_load %arg7[%swap3A_202, %swap3A_203] {strides = array<i32>} : memref<4x128xi32, #tpu.memory_space<vmem>>, vector<1x16xi32>,
    %swap3A_205 = vector.shape_cast %swap3A_204 : vector<1x16xi32> to vector<16xi32>
    %swap3A_206 = vector.shape_cast %shift_right_arithmetic3A_200 : vector<16xi32> to vector<1x16xi32>
    tpu.vector_store %arg7[%swap3A_202, %swap3A_203], %swap3A_206 {strides = array<i32>} : memref<4x128xi32, #tpu.memory_space<vmem>>, vector<1x16xi32>,
    %get3A_207 = arith.constant 1 : i32
    %get3A_208 = arith.index_cast %get3A_207 : i32 to index
    %get3A_209 = arith.constant 96 : index
    %get3A_210 = tpu.vector_load %arg6[%get3A_208, %get3A_209] {strides = array<i32>} : memref<4x128xi32, #tpu.memory_space<vmem>>, vector<1x16xi32>,
    %get3A_211 = vector.shape_cast %get3A_210 : vector<1x16xi32> to vector<16xi32>
    %shift_right_arithmetic3A_212 = arith.constant 2 : i32
    %shift_right_arithmetic3A_213 = vector.broadcast %shift_right_arithmetic3A_212 : i32 to vector<16xi32>
    %shift_right_arithmetic3A_214 = arith.shrsi %get3A_211, %shift_right_arithmetic3A_213 : vector<16xi32>
    %swap3A_215 = arith.constant 1 : i32
    %swap3A_216 = arith.index_cast %swap3A_215 : i32 to index
    %swap3A_217 = arith.constant 96 : index
    %swap3A_218 = tpu.vector_load %arg7[%swap3A_216, %swap3A_217] {strides = array<i32>} : memref<4x128xi32, #tpu.memory_space<vmem>>, vector<1x16xi32>,
    %swap3A_219 = vector.shape_cast %swap3A_218 : vector<1x16xi32> to vector<16xi32>
    %swap3A_220 = vector.shape_cast %shift_right_arithmetic3A_214 : vector<16xi32> to vector<1x16xi32>
    tpu.vector_store %arg7[%swap3A_216, %swap3A_217], %swap3A_220 {strides = array<i32>} : memref<4x128xi32, #tpu.memory_space<vmem>>, vector<1x16xi32>,
    %get3A_221 = arith.constant 1 : i32
    %get3A_222 = arith.index_cast %get3A_221 : i32 to index
    %get3A_223 = arith.constant 112 : index
    %get3A_224 = tpu.vector_load %arg6[%get3A_222, %get3A_223] {strides = array<i32>} : memref<4x128xi32, #tpu.memory_space<vmem>>, vector<1x16xi32>,
    %get3A_225 = vector.shape_cast %get3A_224 : vector<1x16xi32> to vector<16xi32>
    %shift_right_arithmetic3A_226 = arith.constant 2 : i32
    %shift_right_arithmetic3A_227 = vector.broadcast %shift_right_arithmetic3A_226 : i32 to vector<16xi32>
    %shift_right_arithmetic3A_228 = arith.shrsi %get3A_225, %shift_right_arithmetic3A_227 : vector<16xi32>
    %swap3A_229 = arith.constant 1 : i32
    %swap3A_230 = arith.index_cast %swap3A_229 : i32 to index
    %swap3A_231 = arith.constant 112 : index
    %swap3A_232 = tpu.vector_load %arg7[%swap3A_230, %swap3A_231] {strides = array<i32>} : memref<4x128xi32, #tpu.memory_space<vmem>>, vector<1x16xi32>,
    %swap3A_233 = vector.shape_cast %swap3A_232 : vector<1x16xi32> to vector<16xi32>
    %swap3A_234 = vector.shape_cast %shift_right_arithmetic3A_228 : vector<16xi32> to vector<1x16xi32>
    tpu.vector_store %arg7[%swap3A_230, %swap3A_231], %swap3A_234 {strides = array<i32>} : memref<4x128xi32, #tpu.memory_space<vmem>>, vector<1x16xi32>,
    %get3A_235 = arith.constant 2 : i32
    %get3A_236 = arith.index_cast %get3A_235 : i32 to index
    %get3A_237 = arith.constant 0 : index
    %get3A_238 = tpu.vector_load %arg6[%get3A_236, %get3A_237] {strides = array<i32>} : memref<4x128xi32, #tpu.memory_space<vmem>>, vector<1x16xi32>,
    %get3A_239 = vector.shape_cast %get3A_238 : vector<1x16xi32> to vector<16xi32>
    %shift_right_arithmetic3A_240 = arith.constant 2 : i32
    %shift_right_arithmetic3A_241 = vector.broadcast %shift_right_arithmetic3A_240 : i32 to vector<16xi32>
    %shift_right_arithmetic3A_242 = arith.shrsi %get3A_239, %shift_right_arithmetic3A_241 : vector<16xi32>
    %swap3A_243 = arith.constant 2 : i32
    %swap3A_244 = arith.index_cast %swap3A_243 : i32 to index
    %swap3A_245 = arith.constant 0 : index
    %swap3A_246 = tpu.vector_load %arg7[%swap3A_244, %swap3A_245] {strides = array<i32>} : memref<4x128xi32, #tpu.memory_space<vmem>>, vector<1x16xi32>,
    %swap3A_247 = vector.shape_cast %swap3A_246 : vector<1x16xi32> to vector<16xi32>
    %swap3A_248 = vector.shape_cast %shift_right_arithmetic3A_242 : vector<16xi32> to vector<1x16xi32>
    tpu.vector_store %arg7[%swap3A_244, %swap3A_245], %swap3A_248 {strides = array<i32>} : memref<4x128xi32, #tpu.memory_space<vmem>>, vector<1x16xi32>,
    %get3A_249 = arith.constant 2 : i32
    %get3A_250 = arith.index_cast %get3A_249 : i32 to index
    %get3A_251 = arith.constant 16 : index
    %get3A_252 = tpu.vector_load %arg6[%get3A_250, %get3A_251] {strides = array<i32>} : memref<4x128xi32, #tpu.memory_space<vmem>>, vector<1x16xi32>,
    %get3A_253 = vector.shape_cast %get3A_252 : vector<1x16xi32> to vector<16xi32>
    %shift_right_arithmetic3A_254 = arith.constant 2 : i32
    %shift_right_arithmetic3A_255 = vector.broadcast %shift_right_arithmetic3A_254 : i32 to vector<16xi32>
    %shift_right_arithmetic3A_256 = arith.shrsi %get3A_253, %shift_right_arithmetic3A_255 : vector<16xi32>
    %swap3A_257 = arith.constant 2 : i32
    %swap3A_258 = arith.index_cast %swap3A_257 : i32 to index
    %swap3A_259 = arith.constant 16 : index
    %swap3A_260 = tpu.vector_load %arg7[%swap3A_258, %swap3A_259] {strides = array<i32>} : memref<4x128xi32, #tpu.memory_space<vmem>>, vector<1x16xi32>,
    %swap3A_261 = vector.shape_cast %swap3A_260 : vector<1x16xi32> to vector<16xi32>
    %swap3A_262 = vector.shape_cast %shift_right_arithmetic3A_256 : vector<16xi32> to vector<1x16xi32>
    tpu.vector_store %arg7[%swap3A_258, %swap3A_259], %swap3A_262 {strides = array<i32>} : memref<4x128xi32, #tpu.memory_space<vmem>>, vector<1x16xi32>,
    %get3A_263 = arith.constant 2 : i32
    %get3A_264 = arith.index_cast %get3A_263 : i32 to index
    %get3A_265 = arith.constant 32 : index
    %get3A_266 = tpu.vector_load %arg6[%get3A_264, %get3A_265] {strides = array<i32>} : memref<4x128xi32, #tpu.memory_space<vmem>>, vector<1x16xi32>,
    %get3A_267 = vector.shape_cast %get3A_266 : vector<1x16xi32> to vector<16xi32>
    %shift_right_arithmetic3A_268 = arith.constant 2 : i32
    %shift_right_arithmetic3A_269 = vector.broadcast %shift_right_arithmetic3A_268 : i32 to vector<16xi32>
    %shift_right_arithmetic3A_270 = arith.shrsi %get3A_267, %shift_right_arithmetic3A_269 : vector<16xi32>
    %swap3A_271 = arith.constant 2 : i32
    %swap3A_272 = arith.index_cast %swap3A_271 : i32 to index
    %swap3A_273 = arith.constant 32 : index
    %swap3A_274 = tpu.vector_load %arg7[%swap3A_272, %swap3A_273] {strides = array<i32>} : memref<4x128xi32, #tpu.memory_space<vmem>>, vector<1x16xi32>,
    %swap3A_275 = vector.shape_cast %swap3A_274 : vector<1x16xi32> to vector<16xi32>
    %swap3A_276 = vector.shape_cast %shift_right_arithmetic3A_270 : vector<16xi32> to vector<1x16xi32>
    tpu.vector_store %arg7[%swap3A_272, %swap3A_273], %swap3A_276 {strides = array<i32>} : memref<4x128xi32, #tpu.memory_space<vmem>>, vector<1x16xi32>,
    %get3A_277 = arith.constant 2 : i32
    %get3A_278 = arith.index_cast %get3A_277 : i32 to index
    %get3A_279 = arith.constant 48 : index
    %get3A_280 = tpu.vector_load %arg6[%get3A_278, %get3A_279] {strides = array<i32>} : memref<4x128xi32, #tpu.memory_space<vmem>>, vector<1x16xi32>,
    %get3A_281 = vector.shape_cast %get3A_280 : vector<1x16xi32> to vector<16xi32>
    %shift_right_arithmetic3A_282 = arith.constant 2 : i32
    %shift_right_arithmetic3A_283 = vector.broadcast %shift_right_arithmetic3A_282 : i32 to vector<16xi32>
    %shift_right_arithmetic3A_284 = arith.shrsi %get3A_281, %shift_right_arithmetic3A_283 : vector<16xi32>
    %swap3A_285 = arith.constant 2 : i32
    %swap3A_286 = arith.index_cast %swap3A_285 : i32 to index
    %swap3A_287 = arith.constant 48 : index
    %swap3A_288 = tpu.vector_load %arg7[%swap3A_286, %swap3A_287] {strides = array<i32>} : memref<4x128xi32, #tpu.memory_space<vmem>>, vector<1x16xi32>,
    %swap3A_289 = vector.shape_cast %swap3A_288 : vector<1x16xi32> to vector<16xi32>
    %swap3A_290 = vector.shape_cast %shift_right_arithmetic3A_284 : vector<16xi32> to vector<1x16xi32>
    tpu.vector_store %arg7[%swap3A_286, %swap3A_287], %swap3A_290 {strides = array<i32>} : memref<4x128xi32, #tpu.memory_space<vmem>>, vector<1x16xi32>,
    %get3A_291 = arith.constant 2 : i32
    %get3A_292 = arith.index_cast %get3A_291 : i32 to index
    %get3A_293 = arith.constant 64 : index
    %get3A_294 = tpu.vector_load %arg6[%get3A_292, %get3A_293] {strides = array<i32>} : memref<4x128xi32, #tpu.memory_space<vmem>>, vector<1x16xi32>,
    %get3A_295 = vector.shape_cast %get3A_294 : vector<1x16xi32> to vector<16xi32>
    %shift_right_arithmetic3A_296 = arith.constant 2 : i32
    %shift_right_arithmetic3A_297 = vector.broadcast %shift_right_arithmetic3A_296 : i32 to vector<16xi32>
    %shift_right_arithmetic3A_298 = arith.shrsi %get3A_295, %shift_right_arithmetic3A_297 : vector<16xi32>
    %swap3A_299 = arith.constant 2 : i32
    %swap3A_300 = arith.index_cast %swap3A_299 : i32 to index
    %swap3A_301 = arith.constant 64 : index
    %swap3A_302 = tpu.vector_load %arg7[%swap3A_300, %swap3A_301] {strides = array<i32>} : memref<4x128xi32, #tpu.memory_space<vmem>>, vector<1x16xi32>,
    %swap3A_303 = vector.shape_cast %swap3A_302 : vector<1x16xi32> to vector<16xi32>
    %swap3A_304 = vector.shape_cast %shift_right_arithmetic3A_298 : vector<16xi32> to vector<1x16xi32>
    tpu.vector_store %arg7[%swap3A_300, %swap3A_301], %swap3A_304 {strides = array<i32>} : memref<4x128xi32, #tpu.memory_space<vmem>>, vector<1x16xi32>,
    %get3A_305 = arith.constant 2 : i32
    %get3A_306 = arith.index_cast %get3A_305 : i32 to index
    %get3A_307 = arith.constant 80 : index
    %get3A_308 = tpu.vector_load %arg6[%get3A_306, %get3A_307] {strides = array<i32>} : memref<4x128xi32, #tpu.memory_space<vmem>>, vector<1x16xi32>,
    %get3A_309 = vector.shape_cast %get3A_308 : vector<1x16xi32> to vector<16xi32>
    %shift_right_arithmetic3A_310 = arith.constant 2 : i32
    %shift_right_arithmetic3A_311 = vector.broadcast %shift_right_arithmetic3A_310 : i32 to vector<16xi32>
    %shift_right_arithmetic3A_312 = arith.shrsi %get3A_309, %shift_right_arithmetic3A_311 : vector<16xi32>
    %swap3A_313 = arith.constant 2 : i32
    %swap3A_314 = arith.index_cast %swap3A_313 : i32 to index
    %swap3A_315 = arith.constant 80 : index
    %swap3A_316 = tpu.vector_load %arg7[%swap3A_314, %swap3A_315] {strides = array<i32>} : memref<4x128xi32, #tpu.memory_space<vmem>>, vector<1x16xi32>,
    %swap3A_317 = vector.shape_cast %swap3A_316 : vector<1x16xi32> to vector<16xi32>
    %swap3A_318 = vector.shape_cast %shift_right_arithmetic3A_312 : vector<16xi32> to vector<1x16xi32>
    tpu.vector_store %arg7[%swap3A_314, %swap3A_315], %swap3A_318 {strides = array<i32>} : memref<4x128xi32, #tpu.memory_space<vmem>>, vector<1x16xi32>,
    %get3A_319 = arith.constant 2 : i32
    %get3A_320 = arith.index_cast %get3A_319 : i32 to index
    %get3A_321 = arith.constant 96 : index
    %get3A_322 = tpu.vector_load %arg6[%get3A_320, %get3A_321] {strides = array<i32>} : memref<4x128xi32, #tpu.memory_space<vmem>>, vector<1x16xi32>,
    %get3A_323 = vector.shape_cast %get3A_322 : vector<1x16xi32> to vector<16xi32>
    %shift_right_arithmetic3A_324 = arith.constant 2 : i32
    %shift_right_arithmetic3A_325 = vector.broadcast %shift_right_arithmetic3A_324 : i32 to vector<16xi32>
    %shift_right_arithmetic3A_326 = arith.shrsi %get3A_323, %shift_right_arithmetic3A_325 : vector<16xi32>
    %swap3A_327 = arith.constant 2 : i32
    %swap3A_328 = arith.index_cast %swap3A_327 : i32 to index
    %swap3A_329 = arith.constant 96 : index
    %swap3A_330 = tpu.vector_load %arg7[%swap3A_328, %swap3A_329] {strides = array<i32>} : memref<4x128xi32, #tpu.memory_space<vmem>>, vector<1x16xi32>,
    %swap3A_331 = vector.shape_cast %swap3A_330 : vector<1x16xi32> to vector<16xi32>
    %swap3A_332 = vector.shape_cast %shift_right_arithmetic3A_326 : vector<16xi32> to vector<1x16xi32>
    tpu.vector_store %arg7[%swap3A_328, %swap3A_329], %swap3A_332 {strides = array<i32>} : memref<4x128xi32, #tpu.memory_space<vmem>>, vector<1x16xi32>,
    %get3A_333 = arith.constant 2 : i32
    %get3A_334 = arith.index_cast %get3A_333 : i32 to index
    %get3A_335 = arith.constant 112 : index
    %get3A_336 = tpu.vector_load %arg6[%get3A_334, %get3A_335] {strides = array<i32>} : memref<4x128xi32, #tpu.memory_space<vmem>>, vector<1x16xi32>,
    %get3A_337 = vector.shape_cast %get3A_336 : vector<1x16xi32> to vector<16xi32>
    %shift_right_arithmetic3A_338 = arith.constant 2 : i32
    %shift_right_arithmetic3A_339 = vector.broadcast %shift_right_arithmetic3A_338 : i32 to vector<16xi32>
    %shift_right_arithmetic3A_340 = arith.shrsi %get3A_337, %shift_right_arithmetic3A_339 : vector<16xi32>
    %swap3A_341 = arith.constant 2 : i32
    %swap3A_342 = arith.index_cast %swap3A_341 : i32 to index
    %swap3A_343 = arith.constant 112 : index
    %swap3A_344 = tpu.vector_load %arg7[%swap3A_342, %swap3A_343] {strides = array<i32>} : memref<4x128xi32, #tpu.memory_space<vmem>>, vector<1x16xi32>,
    %swap3A_345 = vector.shape_cast %swap3A_344 : vector<1x16xi32> to vector<16xi32>
    %swap3A_346 = vector.shape_cast %shift_right_arithmetic3A_340 : vector<16xi32> to vector<1x16xi32>
    tpu.vector_store %arg7[%swap3A_342, %swap3A_343], %swap3A_346 {strides = array<i32>} : memref<4x128xi32, #tpu.memory_space<vmem>>, vector<1x16xi32>,
    %get3A_347 = arith.constant 3 : i32
    %get3A_348 = arith.index_cast %get3A_347 : i32 to index
    %get3A_349 = arith.constant 0 : index
    %get3A_350 = tpu.vector_load %arg6[%get3A_348, %get3A_349] {strides = array<i32>} : memref<4x128xi32, #tpu.memory_space<vmem>>, vector<1x16xi32>,
    %get3A_351 = vector.shape_cast %get3A_350 : vector<1x16xi32> to vector<16xi32>
    %shift_right_arithmetic3A_352 = arith.constant 2 : i32
    %shift_right_arithmetic3A_353 = vector.broadcast %shift_right_arithmetic3A_352 : i32 to vector<16xi32>
    %shift_right_arithmetic3A_354 = arith.shrsi %get3A_351, %shift_right_arithmetic3A_353 : vector<16xi32>
    %swap3A_355 = arith.constant 3 : i32
    %swap3A_356 = arith.index_cast %swap3A_355 : i32 to index
    %swap3A_357 = arith.constant 0 : index
    %swap3A_358 = tpu.vector_load %arg7[%swap3A_356, %swap3A_357] {strides = array<i32>} : memref<4x128xi32, #tpu.memory_space<vmem>>, vector<1x16xi32>,
    %swap3A_359 = vector.shape_cast %swap3A_358 : vector<1x16xi32> to vector<16xi32>
    %swap3A_360 = vector.shape_cast %shift_right_arithmetic3A_354 : vector<16xi32> to vector<1x16xi32>
    tpu.vector_store %arg7[%swap3A_356, %swap3A_357], %swap3A_360 {strides = array<i32>} : memref<4x128xi32, #tpu.memory_space<vmem>>, vector<1x16xi32>,
    %get3A_361 = arith.constant 3 : i32
    %get3A_362 = arith.index_cast %get3A_361 : i32 to index
    %get3A_363 = arith.constant 16 : index
    %get3A_364 = tpu.vector_load %arg6[%get3A_362, %get3A_363] {strides = array<i32>} : memref<4x128xi32, #tpu.memory_space<vmem>>, vector<1x16xi32>,
    %get3A_365 = vector.shape_cast %get3A_364 : vector<1x16xi32> to vector<16xi32>
    %shift_right_arithmetic3A_366 = arith.constant 2 : i32
    %shift_right_arithmetic3A_367 = vector.broadcast %shift_right_arithmetic3A_366 : i32 to vector<16xi32>
    %shift_right_arithmetic3A_368 = arith.shrsi %get3A_365, %shift_right_arithmetic3A_367 : vector<16xi32>
    %swap3A_369 = arith.constant 3 : i32
    %swap3A_370 = arith.index_cast %swap3A_369 : i32 to index
    %swap3A_371 = arith.constant 16 : index
    %swap3A_372 = tpu.vector_load %arg7[%swap3A_370, %swap3A_371] {strides = array<i32>} : memref<4x128xi32, #tpu.memory_space<vmem>>, vector<1x16xi32>,
    %swap3A_373 = vector.shape_cast %swap3A_372 : vector<1x16xi32> to vector<16xi32>
    %swap3A_374 = vector.shape_cast %shift_right_arithmetic3A_368 : vector<16xi32> to vector<1x16xi32>
    tpu.vector_store %arg7[%swap3A_370, %swap3A_371], %swap3A_374 {strides = array<i32>} : memref<4x128xi32, #tpu.memory_space<vmem>>, vector<1x16xi32>,
    %get3A_375 = arith.constant 3 : i32
    %get3A_376 = arith.index_cast %get3A_375 : i32 to index
    %get3A_377 = arith.constant 32 : index
    %get3A_378 = tpu.vector_load %arg6[%get3A_376, %get3A_377] {strides = array<i32>} : memref<4x128xi32, #tpu.memory_space<vmem>>, vector<1x16xi32>,
    %get3A_379 = vector.shape_cast %get3A_378 : vector<1x16xi32> to vector<16xi32>
    %shift_right_arithmetic3A_380 = arith.constant 2 : i32
    %shift_right_arithmetic3A_381 = vector.broadcast %shift_right_arithmetic3A_380 : i32 to vector<16xi32>
    %shift_right_arithmetic3A_382 = arith.shrsi %get3A_379, %shift_right_arithmetic3A_381 : vector<16xi32>
    %swap3A_383 = arith.constant 3 : i32
    %swap3A_384 = arith.index_cast %swap3A_383 : i32 to index
    %swap3A_385 = arith.constant 32 : index
    %swap3A_386 = tpu.vector_load %arg7[%swap3A_384, %swap3A_385] {strides = array<i32>} : memref<4x128xi32, #tpu.memory_space<vmem>>, vector<1x16xi32>,
    %swap3A_387 = vector.shape_cast %swap3A_386 : vector<1x16xi32> to vector<16xi32>
    %swap3A_388 = vector.shape_cast %shift_right_arithmetic3A_382 : vector<16xi32> to vector<1x16xi32>
    tpu.vector_store %arg7[%swap3A_384, %swap3A_385], %swap3A_388 {strides = array<i32>} : memref<4x128xi32, #tpu.memory_space<vmem>>, vector<1x16xi32>,
    %get3A_389 = arith.constant 3 : i32
    %get3A_390 = arith.index_cast %get3A_389 : i32 to index
    %get3A_391 = arith.constant 48 : index
    %get3A_392 = tpu.vector_load %arg6[%get3A_390, %get3A_391] {strides = array<i32>} : memref<4x128xi32, #tpu.memory_space<vmem>>, vector<1x16xi32>,
    %get3A_393 = vector.shape_cast %get3A_392 : vector<1x16xi32> to vector<16xi32>
    %shift_right_arithmetic3A_394 = arith.constant 2 : i32
    %shift_right_arithmetic3A_395 = vector.broadcast %shift_right_arithmetic3A_394 : i32 to vector<16xi32>
    %shift_right_arithmetic3A_396 = arith.shrsi %get3A_393, %shift_right_arithmetic3A_395 : vector<16xi32>
    %swap3A_397 = arith.constant 3 : i32
    %swap3A_398 = arith.index_cast %swap3A_397 : i32 to index
    %swap3A_399 = arith.constant 48 : index
    %swap3A_400 = tpu.vector_load %arg7[%swap3A_398, %swap3A_399] {strides = array<i32>} : memref<4x128xi32, #tpu.memory_space<vmem>>, vector<1x16xi32>,
    %swap3A_401 = vector.shape_cast %swap3A_400 : vector<1x16xi32> to vector<16xi32>
    %swap3A_402 = vector.shape_cast %shift_right_arithmetic3A_396 : vector<16xi32> to vector<1x16xi32>
    tpu.vector_store %arg7[%swap3A_398, %swap3A_399], %swap3A_402 {strides = array<i32>} : memref<4x128xi32, #tpu.memory_space<vmem>>, vector<1x16xi32>,
    %get3A_403 = arith.constant 3 : i32
    %get3A_404 = arith.index_cast %get3A_403 : i32 to index
    %get3A_405 = arith.constant 64 : index
    %get3A_406 = tpu.vector_load %arg6[%get3A_404, %get3A_405] {strides = array<i32>} : memref<4x128xi32, #tpu.memory_space<vmem>>, vector<1x16xi32>,
    %get3A_407 = vector.shape_cast %get3A_406 : vector<1x16xi32> to vector<16xi32>
    %shift_right_arithmetic3A_408 = arith.constant 2 : i32
    %shift_right_arithmetic3A_409 = vector.broadcast %shift_right_arithmetic3A_408 : i32 to vector<16xi32>
    %shift_right_arithmetic3A_410 = arith.shrsi %get3A_407, %shift_right_arithmetic3A_409 : vector<16xi32>
    %swap3A_411 = arith.constant 3 : i32
    %swap3A_412 = arith.index_cast %swap3A_411 : i32 to index
    %swap3A_413 = arith.constant 64 : index
    %swap3A_414 = tpu.vector_load %arg7[%swap3A_412, %swap3A_413] {strides = array<i32>} : memref<4x128xi32, #tpu.memory_space<vmem>>, vector<1x16xi32>,
    %swap3A_415 = vector.shape_cast %swap3A_414 : vector<1x16xi32> to vector<16xi32>
    %swap3A_416 = vector.shape_cast %shift_right_arithmetic3A_410 : vector<16xi32> to vector<1x16xi32>
    tpu.vector_store %arg7[%swap3A_412, %swap3A_413], %swap3A_416 {strides = array<i32>} : memref<4x128xi32, #tpu.memory_space<vmem>>, vector<1x16xi32>,
    %get3A_417 = arith.constant 3 : i32
    %get3A_418 = arith.index_cast %get3A_417 : i32 to index
    %get3A_419 = arith.constant 80 : index
    %get3A_420 = tpu.vector_load %arg6[%get3A_418, %get3A_419] {strides = array<i32>} : memref<4x128xi32, #tpu.memory_space<vmem>>, vector<1x16xi32>,
    %get3A_421 = vector.shape_cast %get3A_420 : vector<1x16xi32> to vector<16xi32>
    %shift_right_arithmetic3A_422 = arith.constant 2 : i32
    %shift_right_arithmetic3A_423 = vector.broadcast %shift_right_arithmetic3A_422 : i32 to vector<16xi32>
    %shift_right_arithmetic3A_424 = arith.shrsi %get3A_421, %shift_right_arithmetic3A_423 : vector<16xi32>
    %swap3A_425 = arith.constant 3 : i32
    %swap3A_426 = arith.index_cast %swap3A_425 : i32 to index
    %swap3A_427 = arith.constant 80 : index
    %swap3A_428 = tpu.vector_load %arg7[%swap3A_426, %swap3A_427] {strides = array<i32>} : memref<4x128xi32, #tpu.memory_space<vmem>>, vector<1x16xi32>,
    %swap3A_429 = vector.shape_cast %swap3A_428 : vector<1x16xi32> to vector<16xi32>
    %swap3A_430 = vector.shape_cast %shift_right_arithmetic3A_424 : vector<16xi32> to vector<1x16xi32>
    tpu.vector_store %arg7[%swap3A_426, %swap3A_427], %swap3A_430 {strides = array<i32>} : memref<4x128xi32, #tpu.memory_space<vmem>>, vector<1x16xi32>,
    %get3A_431 = arith.constant 3 : i32
    %get3A_432 = arith.index_cast %get3A_431 : i32 to index
    %get3A_433 = arith.constant 96 : index
    %get3A_434 = tpu.vector_load %arg6[%get3A_432, %get3A_433] {strides = array<i32>} : memref<4x128xi32, #tpu.memory_space<vmem>>, vector<1x16xi32>,
    %get3A_435 = vector.shape_cast %get3A_434 : vector<1x16xi32> to vector<16xi32>
    %shift_right_arithmetic3A_436 = arith.constant 2 : i32
    %shift_right_arithmetic3A_437 = vector.broadcast %shift_right_arithmetic3A_436 : i32 to vector<16xi32>
    %shift_right_arithmetic3A_438 = arith.shrsi %get3A_435, %shift_right_arithmetic3A_437 : vector<16xi32>
    %swap3A_439 = arith.constant 3 : i32
    %swap3A_440 = arith.index_cast %swap3A_439 : i32 to index
    %swap3A_441 = arith.constant 96 : index
    %swap3A_442 = tpu.vector_load %arg7[%swap3A_440, %swap3A_441] {strides = array<i32>} : memref<4x128xi32, #tpu.memory_space<vmem>>, vector<1x16xi32>,
    %swap3A_443 = vector.shape_cast %swap3A_442 : vector<1x16xi32> to vector<16xi32>
    %swap3A_444 = vector.shape_cast %shift_right_arithmetic3A_438 : vector<16xi32> to vector<1x16xi32>
    tpu.vector_store %arg7[%swap3A_440, %swap3A_441], %swap3A_444 {strides = array<i32>} : memref<4x128xi32, #tpu.memory_space<vmem>>, vector<1x16xi32>,
    %get3A_445 = arith.constant 3 : i32
    %get3A_446 = arith.index_cast %get3A_445 : i32 to index
    %get3A_447 = arith.constant 112 : index
    %get3A_448 = tpu.vector_load %arg6[%get3A_446, %get3A_447] {strides = array<i32>} : memref<4x128xi32, #tpu.memory_space<vmem>>, vector<1x16xi32>,
    %get3A_449 = vector.shape_cast %get3A_448 : vector<1x16xi32> to vector<16xi32>
    %shift_right_arithmetic3A_450 = arith.constant 2 : i32
    %shift_right_arithmetic3A_451 = vector.broadcast %shift_right_arithmetic3A_450 : i32 to vector<16xi32>
    %shift_right_arithmetic3A_452 = arith.shrsi %get3A_449, %shift_right_arithmetic3A_451 : vector<16xi32>
    %swap3A_453 = arith.constant 3 : i32
    %swap3A_454 = arith.index_cast %swap3A_453 : i32 to index
    %swap3A_455 = arith.constant 112 : index
    %swap3A_456 = tpu.vector_load %arg7[%swap3A_454, %swap3A_455] {strides = array<i32>} : memref<4x128xi32, #tpu.memory_space<vmem>>, vector<1x16xi32>,
    %swap3A_457 = vector.shape_cast %swap3A_456 : vector<1x16xi32> to vector<16xi32>
    %swap3A_458 = vector.shape_cast %shift_right_arithmetic3A_452 : vector<16xi32> to vector<1x16xi32>
    tpu.vector_store %arg7[%swap3A_454, %swap3A_455], %swap3A_458 {strides = array<i32>} : memref<4x128xi32, #tpu.memory_space<vmem>>, vector<1x16xi32>,
    %dma_start3A = arith.constant 0 : i32
    %dma_start3A_459 = arith.constant 0 : i32
    %dma_start3A_460 = arith.constant 0 : i32
    %dma_start3A_461 = arith.constant 0 : i32
    %dma_start3A_462 = tpu.memref_slice %arg8[%dma_start3A_459, %dma_start3A_460, %dma_start3A_461] : memref<4x128x128xf32, #tpu.memory_space<vmem>> -> memref<1x128x128xf32, #tpu.memory_space<vmem>>
    %dma_start3A_463 = tpu.memref_squeeze %dma_start3A_462 : memref<1x128x128xf32, #tpu.memory_space<vmem>> -> memref<128x128xf32, #tpu.memory_space<vmem>>
    %dma_start3A_464 = arith.constant 0 : i32
    %dma_start3A_465 = tpu.memref_slice %arg7[%dma_start3A, %dma_start3A_464] : memref<4x128xi32, #tpu.memory_space<vmem>> -> memref<1x128xi32, #tpu.memory_space<vmem>>
    %dma_start3A_466 = tpu.memref_squeeze %dma_start3A_465 : memref<1x128xi32, #tpu.memory_space<vmem>> -> memref<128xi32, #tpu.memory_space<vmem>>
    %dma_start3A_467 = arith.constant 0 : i32
    %dma_start3A_468 = arith.constant 0 : i32
    %dma_start3A_469 = tpu.memref_slice %arg4[%dma_start3A_467, %dma_start3A_468] : memref<250000x128xf32, #tpu.memory_space<hbm>> -> memref<250000x128xf32, #tpu.memory_space<hbm>>
    tpu.enqueue_indirect_dma source(%dma_start3A_469 : memref<250000x128xf32, #tpu.memory_space<hbm>>) target(%dma_start3A_463 : memref<128x128xf32, #tpu.memory_space<vmem>>) offsets(%dma_start3A_466 : memref<128xi32, #tpu.memory_space<vmem>>) semaphore(%arg10 : memref<!tpu.dma_semaphore, #tpu.memory_space<semaphore_mem>>)
    %dma_start3A_470 = arith.constant 1 : i32
    %dma_start3A_471 = arith.constant 1 : i32
    %dma_start3A_472 = arith.constant 0 : i32
    %dma_start3A_473 = arith.constant 0 : i32
    %dma_start3A_474 = tpu.memref_slice %arg8[%dma_start3A_471, %dma_start3A_472, %dma_start3A_473] : memref<4x128x128xf32, #tpu.memory_space<vmem>> -> memref<1x128x128xf32, #tpu.memory_space<vmem>>
    %dma_start3A_475 = tpu.memref_squeeze %dma_start3A_474 : memref<1x128x128xf32, #tpu.memory_space<vmem>> -> memref<128x128xf32, #tpu.memory_space<vmem>>
    %dma_start3A_476 = arith.constant 0 : i32
    %dma_start3A_477 = tpu.memref_slice %arg7[%dma_start3A_470, %dma_start3A_476] : memref<4x128xi32, #tpu.memory_space<vmem>> -> memref<1x128xi32, #tpu.memory_space<vmem>>
    %dma_start3A_478 = tpu.memref_squeeze %dma_start3A_477 : memref<1x128xi32, #tpu.memory_space<vmem>> -> memref<128xi32, #tpu.memory_space<vmem>>
    %dma_start3A_479 = arith.constant 0 : i32
    %dma_start3A_480 = arith.constant 0 : i32
    %dma_start3A_481 = tpu.memref_slice %arg4[%dma_start3A_479, %dma_start3A_480] : memref<250000x128xf32, #tpu.memory_space<hbm>> -> memref<250000x128xf32, #tpu.memory_space<hbm>>
    tpu.enqueue_indirect_dma source(%dma_start3A_481 : memref<250000x128xf32, #tpu.memory_space<hbm>>) target(%dma_start3A_475 : memref<128x128xf32, #tpu.memory_space<vmem>>) offsets(%dma_start3A_478 : memref<128xi32, #tpu.memory_space<vmem>>) semaphore(%arg10 : memref<!tpu.dma_semaphore, #tpu.memory_space<semaphore_mem>>)
    %dma_start3A_482 = arith.constant 2 : i32
    %dma_start3A_483 = arith.constant 2 : i32
    %dma_start3A_484 = arith.constant 0 : i32
    %dma_start3A_485 = arith.constant 0 : i32
    %dma_start3A_486 = tpu.memref_slice %arg8[%dma_start3A_483, %dma_start3A_484, %dma_start3A_485] : memref<4x128x128xf32, #tpu.memory_space<vmem>> -> memref<1x128x128xf32, #tpu.memory_space<vmem>>
    %dma_start3A_487 = tpu.memref_squeeze %dma_start3A_486 : memref<1x128x128xf32, #tpu.memory_space<vmem>> -> memref<128x128xf32, #tpu.memory_space<vmem>>
    %dma_start3A_488 = arith.constant 0 : i32
    %dma_start3A_489 = tpu.memref_slice %arg7[%dma_start3A_482, %dma_start3A_488] : memref<4x128xi32, #tpu.memory_space<vmem>> -> memref<1x128xi32, #tpu.memory_space<vmem>>
    %dma_start3A_490 = tpu.memref_squeeze %dma_start3A_489 : memref<1x128xi32, #tpu.memory_space<vmem>> -> memref<128xi32, #tpu.memory_space<vmem>>
    %dma_start3A_491 = arith.constant 0 : i32
    %dma_start3A_492 = arith.constant 0 : i32
    %dma_start3A_493 = tpu.memref_slice %arg4[%dma_start3A_491, %dma_start3A_492] : memref<250000x128xf32, #tpu.memory_space<hbm>> -> memref<250000x128xf32, #tpu.memory_space<hbm>>
    tpu.enqueue_indirect_dma source(%dma_start3A_493 : memref<250000x128xf32, #tpu.memory_space<hbm>>) target(%dma_start3A_487 : memref<128x128xf32, #tpu.memory_space<vmem>>) offsets(%dma_start3A_490 : memref<128xi32, #tpu.memory_space<vmem>>) semaphore(%arg10 : memref<!tpu.dma_semaphore, #tpu.memory_space<semaphore_mem>>)
    %dma_start3A_494 = arith.constant 3 : i32
    %dma_start3A_495 = arith.constant 3 : i32
    %dma_start3A_496 = arith.constant 0 : i32
    %dma_start3A_497 = arith.constant 0 : i32
    %dma_start3A_498 = tpu.memref_slice %arg8[%dma_start3A_495, %dma_start3A_496, %dma_start3A_497] : memref<4x128x128xf32, #tpu.memory_space<vmem>> -> memref<1x128x128xf32, #tpu.memory_space<vmem>>
    %dma_start3A_499 = tpu.memref_squeeze %dma_start3A_498 : memref<1x128x128xf32, #tpu.memory_space<vmem>> -> memref<128x128xf32, #tpu.memory_space<vmem>>
    %dma_start3A_500 = arith.constant 0 : i32
    %dma_start3A_501 = tpu.memref_slice %arg7[%dma_start3A_494, %dma_start3A_500] : memref<4x128xi32, #tpu.memory_space<vmem>> -> memref<1x128xi32, #tpu.memory_space<vmem>>
    %dma_start3A_502 = tpu.memref_squeeze %dma_start3A_501 : memref<1x128xi32, #tpu.memory_space<vmem>> -> memref<128xi32, #tpu.memory_space<vmem>>
    %dma_start3A_503 = arith.constant 0 : i32
    %dma_start3A_504 = arith.constant 0 : i32
    %dma_start3A_505 = tpu.memref_slice %arg4[%dma_start3A_503, %dma_start3A_504] : memref<250000x128xf32, #tpu.memory_space<hbm>> -> memref<250000x128xf32, #tpu.memory_space<hbm>>
    tpu.enqueue_indirect_dma source(%dma_start3A_505 : memref<250000x128xf32, #tpu.memory_space<hbm>>) target(%dma_start3A_499 : memref<128x128xf32, #tpu.memory_space<vmem>>) offsets(%dma_start3A_502 : memref<128xi32, #tpu.memory_space<vmem>>) semaphore(%arg10 : memref<!tpu.dma_semaphore, #tpu.memory_space<semaphore_mem>>)
    %dma_wait3A = arith.constant 0 : i32
    %dma_wait3A_506 = arith.constant 0 : i32
    %dma_wait3A_507 = arith.constant 0 : i32
    %dma_wait3A_508 = arith.constant 0 : i32
    %dma_wait3A_509 = tpu.memref_slice %arg8[%dma_wait3A_506, %dma_wait3A_507, %dma_wait3A_508] : memref<4x128x128xf32, #tpu.memory_space<vmem>> -> memref<1x128x128xf32, #tpu.memory_space<vmem>>
    %dma_wait3A_510 = tpu.memref_squeeze %dma_wait3A_509 : memref<1x128x128xf32, #tpu.memory_space<vmem>> -> memref<128x128xf32, #tpu.memory_space<vmem>>
    %dma_wait3A_511 = arith.constant 0 : i32
    %dma_wait3A_512 = tpu.memref_slice %arg7[%dma_wait3A, %dma_wait3A_511] : memref<4x128xi32, #tpu.memory_space<vmem>> -> memref<1x128xi32, #tpu.memory_space<vmem>>
    %dma_wait3A_513 = tpu.memref_squeeze %dma_wait3A_512 : memref<1x128xi32, #tpu.memory_space<vmem>> -> memref<128xi32, #tpu.memory_space<vmem>>
    %dma_wait3A_514 = arith.constant 0 : i32
    %dma_wait3A_515 = arith.constant 0 : i32
    %dma_wait3A_516 = tpu.memref_slice %arg4[%dma_wait3A_514, %dma_wait3A_515] : memref<250000x128xf32, #tpu.memory_space<hbm>> -> memref<250000x128xf32, #tpu.memory_space<hbm>>
    tpu.wait_indirect_dma semaphore(%arg10 : memref<!tpu.dma_semaphore, #tpu.memory_space<semaphore_mem>>) src(%dma_wait3A_516 : memref<250000x128xf32, #tpu.memory_space<hbm>>) dst(%dma_wait3A_510 : memref<128x128xf32, #tpu.memory_space<vmem>>)
    %dma_wait3A_517 = arith.constant 1 : i32
    %dma_wait3A_518 = arith.constant 1 : i32
    %dma_wait3A_519 = arith.constant 0 : i32
    %dma_wait3A_520 = arith.constant 0 : i32
    %dma_wait3A_521 = tpu.memref_slice %arg8[%dma_wait3A_518, %dma_wait3A_519, %dma_wait3A_520] : memref<4x128x128xf32, #tpu.memory_space<vmem>> -> memref<1x128x128xf32, #tpu.memory_space<vmem>>
    %dma_wait3A_522 = tpu.memref_squeeze %dma_wait3A_521 : memref<1x128x128xf32, #tpu.memory_space<vmem>> -> memref<128x128xf32, #tpu.memory_space<vmem>>
    %dma_wait3A_523 = arith.constant 0 : i32
    %dma_wait3A_524 = tpu.memref_slice %arg7[%dma_wait3A_517, %dma_wait3A_523] : memref<4x128xi32, #tpu.memory_space<vmem>> -> memref<1x128xi32, #tpu.memory_space<vmem>>
    %dma_wait3A_525 = tpu.memref_squeeze %dma_wait3A_524 : memref<1x128xi32, #tpu.memory_space<vmem>> -> memref<128xi32, #tpu.memory_space<vmem>>
    %dma_wait3A_526 = arith.constant 0 : i32
    %dma_wait3A_527 = arith.constant 0 : i32
    %dma_wait3A_528 = tpu.memref_slice %arg4[%dma_wait3A_526, %dma_wait3A_527] : memref<250000x128xf32, #tpu.memory_space<hbm>> -> memref<250000x128xf32, #tpu.memory_space<hbm>>
    tpu.wait_indirect_dma semaphore(%arg10 : memref<!tpu.dma_semaphore, #tpu.memory_space<semaphore_mem>>) src(%dma_wait3A_528 : memref<250000x128xf32, #tpu.memory_space<hbm>>) dst(%dma_wait3A_522 : memref<128x128xf32, #tpu.memory_space<vmem>>)
    %dma_wait3A_529 = arith.constant 2 : i32
    %dma_wait3A_530 = arith.constant 2 : i32
    %dma_wait3A_531 = arith.constant 0 : i32
    %dma_wait3A_532 = arith.constant 0 : i32
    %dma_wait3A_533 = tpu.memref_slice %arg8[%dma_wait3A_530, %dma_wait3A_531, %dma_wait3A_532] : memref<4x128x128xf32, #tpu.memory_space<vmem>> -> memref<1x128x128xf32, #tpu.memory_space<vmem>>
    %dma_wait3A_534 = tpu.memref_squeeze %dma_wait3A_533 : memref<1x128x128xf32, #tpu.memory_space<vmem>> -> memref<128x128xf32, #tpu.memory_space<vmem>>
    %dma_wait3A_535 = arith.constant 0 : i32
    %dma_wait3A_536 = tpu.memref_slice %arg7[%dma_wait3A_529, %dma_wait3A_535] : memref<4x128xi32, #tpu.memory_space<vmem>> -> memref<1x128xi32, #tpu.memory_space<vmem>>
    %dma_wait3A_537 = tpu.memref_squeeze %dma_wait3A_536 : memref<1x128xi32, #tpu.memory_space<vmem>> -> memref<128xi32, #tpu.memory_space<vmem>>
    %dma_wait3A_538 = arith.constant 0 : i32
    %dma_wait3A_539 = arith.constant 0 : i32
    %dma_wait3A_540 = tpu.memref_slice %arg4[%dma_wait3A_538, %dma_wait3A_539] : memref<250000x128xf32, #tpu.memory_space<hbm>> -> memref<250000x128xf32, #tpu.memory_space<hbm>>
    tpu.wait_indirect_dma semaphore(%arg10 : memref<!tpu.dma_semaphore, #tpu.memory_space<semaphore_mem>>) src(%dma_wait3A_540 : memref<250000x128xf32, #tpu.memory_space<hbm>>) dst(%dma_wait3A_534 : memref<128x128xf32, #tpu.memory_space<vmem>>)
    %dma_wait3A_541 = arith.constant 3 : i32
    %dma_wait3A_542 = arith.constant 3 : i32
    %dma_wait3A_543 = arith.constant 0 : i32
    %dma_wait3A_544 = arith.constant 0 : i32
    %dma_wait3A_545 = tpu.memref_slice %arg8[%dma_wait3A_542, %dma_wait3A_543, %dma_wait3A_544] : memref<4x128x128xf32, #tpu.memory_space<vmem>> -> memref<1x128x128xf32, #tpu.memory_space<vmem>>
    %dma_wait3A_546 = tpu.memref_squeeze %dma_wait3A_545 : memref<1x128x128xf32, #tpu.memory_space<vmem>> -> memref<128x128xf32, #tpu.memory_space<vmem>>
    %dma_wait3A_547 = arith.constant 0 : i32
    %dma_wait3A_548 = tpu.memref_slice %arg7[%dma_wait3A_541, %dma_wait3A_547] : memref<4x128xi32, #tpu.memory_space<vmem>> -> memref<1x128xi32, #tpu.memory_space<vmem>>
    %dma_wait3A_549 = tpu.memref_squeeze %dma_wait3A_548 : memref<1x128xi32, #tpu.memory_space<vmem>> -> memref<128xi32, #tpu.memory_space<vmem>>
    %dma_wait3A_550 = arith.constant 0 : i32
    %dma_wait3A_551 = arith.constant 0 : i32
    %dma_wait3A_552 = tpu.memref_slice %arg4[%dma_wait3A_550, %dma_wait3A_551] : memref<250000x128xf32, #tpu.memory_space<hbm>> -> memref<250000x128xf32, #tpu.memory_space<hbm>>
    tpu.wait_indirect_dma semaphore(%arg10 : memref<!tpu.dma_semaphore, #tpu.memory_space<semaphore_mem>>) src(%dma_wait3A_552 : memref<250000x128xf32, #tpu.memory_space<hbm>>) dst(%dma_wait3A_546 : memref<128x128xf32, #tpu.memory_space<vmem>>)
    %broadcast_in_dim3A = arith.constant 0.000000e+00 : f32
    %broadcast_in_dim3A_553 = vector.broadcast %broadcast_in_dim3A : f32 to vector<16xf32>
    %scan3A = arith.constant 0 : i32
    %scan3A_554 = arith.constant 64 : i32
    %scan3A_555 = arith.addi %scan3A, %scan3A_554 : i32
    %scan3A_556 = arith.constant 1 : i32
    %scan3A_557 = scf.for %scan3A_589 = %scan3A to %scan3A_555 step %scan3A_556 iter_args(%scan3A_590 = %broadcast_in_dim3A_553) -> (vector<16xf32>)  : i32 {
      %mul3A_591 = arith.constant 2 : i32
      %mul3A_592 = arith.muli %mul3A_591, %scan3A_589 : i32
      %get3A_593 = arith.constant 0 : i32
      %get3A_594 = arith.index_cast %get3A_593 : i32 to index
      %get3A_595 = arith.index_cast %mul3A_592 : i32 to index
      %get3A_596 = tpu.vector_load %arg6[%get3A_594, %get3A_595] {strides = array<i32>} : memref<4x128xi32, #tpu.memory_space<vmem>>, vector<1x1xi32>,
      %get3A_597 = vector.shape_cast %get3A_596 : vector<1x1xi32> to vector<1xi32>
      %squeeze3A = vector.extract %get3A_597[0] : i32 from vector<1xi32>
      %mul3A_598 = arith.constant 2 : i32
      %mul3A_599 = arith.muli %mul3A_598, %scan3A_589 : i32
      %add3A_600 = arith.constant 1 : i32
      %add3A_601 = arith.addi %mul3A_599, %add3A_600 : i32
      %get3A_602 = arith.constant 0 : i32
      %get3A_603 = arith.index_cast %get3A_602 : i32 to index
      %get3A_604 = arith.index_cast %add3A_601 : i32 to index
      %get3A_605 = tpu.vector_load %arg6[%get3A_603, %get3A_604] {strides = array<i32>} : memref<4x128xi32, #tpu.memory_space<vmem>>, vector<1x1xi32>,
      %get3A_606 = vector.shape_cast %get3A_605 : vector<1x1xi32> to vector<1xi32>
      %squeeze3A_607 = vector.extract %get3A_606[0] : i32 from vector<1xi32>
      %and3A = arith.constant 3 : i32
      %and3A_608 = arith.andi %squeeze3A, %and3A : i32
      %mul3A_609 = arith.constant 32 : i32
      %mul3A_610 = arith.muli %and3A_608, %mul3A_609 : i32
      %and3A_611 = arith.constant 3 : i32
      %and3A_612 = arith.andi %squeeze3A_607, %and3A_611 : i32
      %mul3A_613 = arith.constant 32 : i32
      %mul3A_614 = arith.muli %and3A_612, %mul3A_613 : i32
      %mul3A_615 = arith.constant 2 : i32
      %mul3A_616 = arith.muli %mul3A_615, %scan3A_589 : i32
      %get3A_617 = arith.constant 0 : i32
      %get3A_618 = arith.index_cast %get3A_617 : i32 to index
      %get3A_619 = arith.index_cast %mul3A_616 : i32 to index
      %get3A_620 = arith.index_cast %mul3A_610 : i32 to index
      %get3A_621 = tpu.vector_load %arg8[%get3A_618, %get3A_619, %get3A_620] {strides = array<i32>} : memref<4x128x128xf32, #tpu.memory_space<vmem>>, vector<1x1x16xf32>,
      %get3A_622 = vector.shape_cast %get3A_621 : vector<1x1x16xf32> to vector<16xf32>
      %mul3A_623 = arith.constant 2 : i32
      %mul3A_624 = arith.muli %mul3A_623, %scan3A_589 : i32
      %add3A_625 = arith.constant 16 : i32
      %add3A_626 = arith.addi %mul3A_610, %add3A_625 : i32
      %get3A_627 = arith.constant 0 : i32
      %get3A_628 = arith.index_cast %get3A_627 : i32 to index
      %get3A_629 = arith.index_cast %mul3A_624 : i32 to index
      %get3A_630 = arith.index_cast %add3A_626 : i32 to index
      %get3A_631 = tpu.vector_load %arg8[%get3A_628, %get3A_629, %get3A_630] {strides = array<i32>} : memref<4x128x128xf32, #tpu.memory_space<vmem>>, vector<1x1x16xf32>,
      %get3A_632 = vector.shape_cast %get3A_631 : vector<1x1x16xf32> to vector<16xf32>
      %abs3A = math.absf %get3A_632 : vector<16xf32>
      %mul3A_633 = arith.constant 2 : i32
      %mul3A_634 = arith.muli %mul3A_633, %scan3A_589 : i32
      %add3A_635 = arith.constant 1 : i32
      %add3A_636 = arith.addi %mul3A_634, %add3A_635 : i32
      %get3A_637 = arith.constant 0 : i32
      %get3A_638 = arith.index_cast %get3A_637 : i32 to index
      %get3A_639 = arith.index_cast %add3A_636 : i32 to index
      %get3A_640 = arith.index_cast %mul3A_614 : i32 to index
      %get3A_641 = tpu.vector_load %arg8[%get3A_638, %get3A_639, %get3A_640] {strides = array<i32>} : memref<4x128x128xf32, #tpu.memory_space<vmem>>, vector<1x1x16xf32>,
      %get3A_642 = vector.shape_cast %get3A_641 : vector<1x1x16xf32> to vector<16xf32>
      %mul3A_643 = arith.constant 2 : i32
      %mul3A_644 = arith.muli %mul3A_643, %scan3A_589 : i32
      %add3A_645 = arith.constant 1 : i32
      %add3A_646 = arith.addi %mul3A_644, %add3A_645 : i32
      %add3A_647 = arith.constant 16 : i32
      %add3A_648 = arith.addi %mul3A_614, %add3A_647 : i32
      %get3A_649 = arith.constant 0 : i32
      %get3A_650 = arith.index_cast %get3A_649 : i32 to index
      %get3A_651 = arith.index_cast %add3A_646 : i32 to index
      %get3A_652 = arith.index_cast %add3A_648 : i32 to index
      %get3A_653 = tpu.vector_load %arg8[%get3A_650, %get3A_651, %get3A_652] {strides = array<i32>} : memref<4x128x128xf32, #tpu.memory_space<vmem>>, vector<1x1x16xf32>,
      %get3A_654 = vector.shape_cast %get3A_653 : vector<1x1x16xf32> to vector<16xf32>
      %abs3A_655 = math.absf %get3A_654 : vector<16xf32>
      %sub3A = arith.subf %get3A_622, %get3A_642 : vector<16xf32>
      %abs3A_656 = math.absf %sub3A : vector<16xf32>
      %add3A_657 = arith.addf %abs3A_656, %abs3A : vector<16xf32>
      %sub3A_658 = arith.subf %add3A_657, %abs3A_655 : vector<16xf32>
      %max3A = arith.constant 0.000000e+00 : f32
      %max3A_659 = vector.broadcast %max3A : f32 to vector<16xf32>
      %max3A_660 = arith.maximumf %sub3A_658, %max3A_659 : vector<16xf32>
      %mul3A_661 = arith.mulf %max3A_660, %max3A_660 : vector<16xf32>
      %add3A_662 = arith.addf %scan3A_590, %mul3A_661 : vector<16xf32>
      scf.yield %add3A_662 : vector<16xf32>
    }
    %scan3A_558 = arith.constant 64 : i32
    %scan3A_559 = arith.constant 0 : i32
    %scan3A_560 = arith.constant 64 : i32
    %scan3A_561 = arith.addi %scan3A_559, %scan3A_560 : i32
    %scan3A_562 = arith.constant 1 : i32
    %scan3A_563 = scf.for %scan3A_589 = %scan3A_559 to %scan3A_561 step %scan3A_562 iter_args(%scan3A_590 = %scan3A_557) -> (vector<16xf32>)  : i32 {
      %mul3A_591 = arith.constant 2 : i32
      %mul3A_592 = arith.muli %mul3A_591, %scan3A_589 : i32
      %get3A_593 = arith.constant 1 : i32
      %get3A_594 = arith.index_cast %get3A_593 : i32 to index
      %get3A_595 = arith.index_cast %mul3A_592 : i32 to index
      %get3A_596 = tpu.vector_load %arg6[%get3A_594, %get3A_595] {strides = array<i32>} : memref<4x128xi32, #tpu.memory_space<vmem>>, vector<1x1xi32>,
      %get3A_597 = vector.shape_cast %get3A_596 : vector<1x1xi32> to vector<1xi32>
      %squeeze3A = vector.extract %get3A_597[0] : i32 from vector<1xi32>
      %mul3A_598 = arith.constant 2 : i32
      %mul3A_599 = arith.muli %mul3A_598, %scan3A_589 : i32
      %add3A_600 = arith.constant 1 : i32
      %add3A_601 = arith.addi %mul3A_599, %add3A_600 : i32
      %get3A_602 = arith.constant 1 : i32
      %get3A_603 = arith.index_cast %get3A_602 : i32 to index
      %get3A_604 = arith.index_cast %add3A_601 : i32 to index
      %get3A_605 = tpu.vector_load %arg6[%get3A_603, %get3A_604] {strides = array<i32>} : memref<4x128xi32, #tpu.memory_space<vmem>>, vector<1x1xi32>,
      %get3A_606 = vector.shape_cast %get3A_605 : vector<1x1xi32> to vector<1xi32>
      %squeeze3A_607 = vector.extract %get3A_606[0] : i32 from vector<1xi32>
      %and3A = arith.constant 3 : i32
      %and3A_608 = arith.andi %squeeze3A, %and3A : i32
      %mul3A_609 = arith.constant 32 : i32
      %mul3A_610 = arith.muli %and3A_608, %mul3A_609 : i32
      %and3A_611 = arith.constant 3 : i32
      %and3A_612 = arith.andi %squeeze3A_607, %and3A_611 : i32
      %mul3A_613 = arith.constant 32 : i32
      %mul3A_614 = arith.muli %and3A_612, %mul3A_613 : i32
      %mul3A_615 = arith.constant 2 : i32
      %mul3A_616 = arith.muli %mul3A_615, %scan3A_589 : i32
      %get3A_617 = arith.constant 1 : i32
      %get3A_618 = arith.index_cast %get3A_617 : i32 to index
      %get3A_619 = arith.index_cast %mul3A_616 : i32 to index
      %get3A_620 = arith.index_cast %mul3A_610 : i32 to index
      %get3A_621 = tpu.vector_load %arg8[%get3A_618, %get3A_619, %get3A_620] {strides = array<i32>} : memref<4x128x128xf32, #tpu.memory_space<vmem>>, vector<1x1x16xf32>,
      %get3A_622 = vector.shape_cast %get3A_621 : vector<1x1x16xf32> to vector<16xf32>
      %mul3A_623 = arith.constant 2 : i32
      %mul3A_624 = arith.muli %mul3A_623, %scan3A_589 : i32
      %add3A_625 = arith.constant 16 : i32
      %add3A_626 = arith.addi %mul3A_610, %add3A_625 : i32
      %get3A_627 = arith.constant 1 : i32
      %get3A_628 = arith.index_cast %get3A_627 : i32 to index
      %get3A_629 = arith.index_cast %mul3A_624 : i32 to index
      %get3A_630 = arith.index_cast %add3A_626 : i32 to index
      %get3A_631 = tpu.vector_load %arg8[%get3A_628, %get3A_629, %get3A_630] {strides = array<i32>} : memref<4x128x128xf32, #tpu.memory_space<vmem>>, vector<1x1x16xf32>,
      %get3A_632 = vector.shape_cast %get3A_631 : vector<1x1x16xf32> to vector<16xf32>
      %abs3A = math.absf %get3A_632 : vector<16xf32>
      %mul3A_633 = arith.constant 2 : i32
      %mul3A_634 = arith.muli %mul3A_633, %scan3A_589 : i32
      %add3A_635 = arith.constant 1 : i32
      %add3A_636 = arith.addi %mul3A_634, %add3A_635 : i32
      %get3A_637 = arith.constant 1 : i32
      %get3A_638 = arith.index_cast %get3A_637 : i32 to index
      %get3A_639 = arith.index_cast %add3A_636 : i32 to index
      %get3A_640 = arith.index_cast %mul3A_614 : i32 to index
      %get3A_641 = tpu.vector_load %arg8[%get3A_638, %get3A_639, %get3A_640] {strides = array<i32>} : memref<4x128x128xf32, #tpu.memory_space<vmem>>, vector<1x1x16xf32>,
      %get3A_642 = vector.shape_cast %get3A_641 : vector<1x1x16xf32> to vector<16xf32>
      %mul3A_643 = arith.constant 2 : i32
      %mul3A_644 = arith.muli %mul3A_643, %scan3A_589 : i32
      %add3A_645 = arith.constant 1 : i32
      %add3A_646 = arith.addi %mul3A_644, %add3A_645 : i32
      %add3A_647 = arith.constant 16 : i32
      %add3A_648 = arith.addi %mul3A_614, %add3A_647 : i32
      %get3A_649 = arith.constant 1 : i32
      %get3A_650 = arith.index_cast %get3A_649 : i32 to index
      %get3A_651 = arith.index_cast %add3A_646 : i32 to index
      %get3A_652 = arith.index_cast %add3A_648 : i32 to index
      %get3A_653 = tpu.vector_load %arg8[%get3A_650, %get3A_651, %get3A_652] {strides = array<i32>} : memref<4x128x128xf32, #tpu.memory_space<vmem>>, vector<1x1x16xf32>,
      %get3A_654 = vector.shape_cast %get3A_653 : vector<1x1x16xf32> to vector<16xf32>
      %abs3A_655 = math.absf %get3A_654 : vector<16xf32>
      %sub3A = arith.subf %get3A_622, %get3A_642 : vector<16xf32>
      %abs3A_656 = math.absf %sub3A : vector<16xf32>
      %add3A_657 = arith.addf %abs3A_656, %abs3A : vector<16xf32>
      %sub3A_658 = arith.subf %add3A_657, %abs3A_655 : vector<16xf32>
      %max3A = arith.constant 0.000000e+00 : f32
      %max3A_659 = vector.broadcast %max3A : f32 to vector<16xf32>
      %max3A_660 = arith.maximumf %sub3A_658, %max3A_659 : vector<16xf32>
      %mul3A_661 = arith.mulf %max3A_660, %max3A_660 : vector<16xf32>
      %add3A_662 = arith.addf %scan3A_590, %mul3A_661 : vector<16xf32>
      scf.yield %add3A_662 : vector<16xf32>
    }
    %scan3A_564 = arith.constant 64 : i32
    %scan3A_565 = arith.constant 0 : i32
    %scan3A_566 = arith.constant 64 : i32
    %scan3A_567 = arith.addi %scan3A_565, %scan3A_566 : i32
    %scan3A_568 = arith.constant 1 : i32
    %scan3A_569 = scf.for %scan3A_589 = %scan3A_565 to %scan3A_567 step %scan3A_568 iter_args(%scan3A_590 = %broadcast_in_dim3A_553) -> (vector<16xf32>)  : i32 {
      %mul3A_591 = arith.constant 2 : i32
      %mul3A_592 = arith.muli %mul3A_591, %scan3A_589 : i32
      %get3A_593 = arith.constant 2 : i32
      %get3A_594 = arith.index_cast %get3A_593 : i32 to index
      %get3A_595 = arith.index_cast %mul3A_592 : i32 to index
      %get3A_596 = tpu.vector_load %arg6[%get3A_594, %get3A_595] {strides = array<i32>} : memref<4x128xi32, #tpu.memory_space<vmem>>, vector<1x1xi32>,
      %get3A_597 = vector.shape_cast %get3A_596 : vector<1x1xi32> to vector<1xi32>
      %squeeze3A = vector.extract %get3A_597[0] : i32 from vector<1xi32>
      %mul3A_598 = arith.constant 2 : i32
      %mul3A_599 = arith.muli %mul3A_598, %scan3A_589 : i32
      %add3A_600 = arith.constant 1 : i32
      %add3A_601 = arith.addi %mul3A_599, %add3A_600 : i32
      %get3A_602 = arith.constant 2 : i32
      %get3A_603 = arith.index_cast %get3A_602 : i32 to index
      %get3A_604 = arith.index_cast %add3A_601 : i32 to index
      %get3A_605 = tpu.vector_load %arg6[%get3A_603, %get3A_604] {strides = array<i32>} : memref<4x128xi32, #tpu.memory_space<vmem>>, vector<1x1xi32>,
      %get3A_606 = vector.shape_cast %get3A_605 : vector<1x1xi32> to vector<1xi32>
      %squeeze3A_607 = vector.extract %get3A_606[0] : i32 from vector<1xi32>
      %and3A = arith.constant 3 : i32
      %and3A_608 = arith.andi %squeeze3A, %and3A : i32
      %mul3A_609 = arith.constant 32 : i32
      %mul3A_610 = arith.muli %and3A_608, %mul3A_609 : i32
      %and3A_611 = arith.constant 3 : i32
      %and3A_612 = arith.andi %squeeze3A_607, %and3A_611 : i32
      %mul3A_613 = arith.constant 32 : i32
      %mul3A_614 = arith.muli %and3A_612, %mul3A_613 : i32
      %mul3A_615 = arith.constant 2 : i32
      %mul3A_616 = arith.muli %mul3A_615, %scan3A_589 : i32
      %get3A_617 = arith.constant 2 : i32
      %get3A_618 = arith.index_cast %get3A_617 : i32 to index
      %get3A_619 = arith.index_cast %mul3A_616 : i32 to index
      %get3A_620 = arith.index_cast %mul3A_610 : i32 to index
      %get3A_621 = tpu.vector_load %arg8[%get3A_618, %get3A_619, %get3A_620] {strides = array<i32>} : memref<4x128x128xf32, #tpu.memory_space<vmem>>, vector<1x1x16xf32>,
      %get3A_622 = vector.shape_cast %get3A_621 : vector<1x1x16xf32> to vector<16xf32>
      %mul3A_623 = arith.constant 2 : i32
      %mul3A_624 = arith.muli %mul3A_623, %scan3A_589 : i32
      %add3A_625 = arith.constant 16 : i32
      %add3A_626 = arith.addi %mul3A_610, %add3A_625 : i32
      %get3A_627 = arith.constant 2 : i32
      %get3A_628 = arith.index_cast %get3A_627 : i32 to index
      %get3A_629 = arith.index_cast %mul3A_624 : i32 to index
      %get3A_630 = arith.index_cast %add3A_626 : i32 to index
      %get3A_631 = tpu.vector_load %arg8[%get3A_628, %get3A_629, %get3A_630] {strides = array<i32>} : memref<4x128x128xf32, #tpu.memory_space<vmem>>, vector<1x1x16xf32>,
      %get3A_632 = vector.shape_cast %get3A_631 : vector<1x1x16xf32> to vector<16xf32>
      %abs3A = math.absf %get3A_632 : vector<16xf32>
      %mul3A_633 = arith.constant 2 : i32
      %mul3A_634 = arith.muli %mul3A_633, %scan3A_589 : i32
      %add3A_635 = arith.constant 1 : i32
      %add3A_636 = arith.addi %mul3A_634, %add3A_635 : i32
      %get3A_637 = arith.constant 2 : i32
      %get3A_638 = arith.index_cast %get3A_637 : i32 to index
      %get3A_639 = arith.index_cast %add3A_636 : i32 to index
      %get3A_640 = arith.index_cast %mul3A_614 : i32 to index
      %get3A_641 = tpu.vector_load %arg8[%get3A_638, %get3A_639, %get3A_640] {strides = array<i32>} : memref<4x128x128xf32, #tpu.memory_space<vmem>>, vector<1x1x16xf32>,
      %get3A_642 = vector.shape_cast %get3A_641 : vector<1x1x16xf32> to vector<16xf32>
      %mul3A_643 = arith.constant 2 : i32
      %mul3A_644 = arith.muli %mul3A_643, %scan3A_589 : i32
      %add3A_645 = arith.constant 1 : i32
      %add3A_646 = arith.addi %mul3A_644, %add3A_645 : i32
      %add3A_647 = arith.constant 16 : i32
      %add3A_648 = arith.addi %mul3A_614, %add3A_647 : i32
      %get3A_649 = arith.constant 2 : i32
      %get3A_650 = arith.index_cast %get3A_649 : i32 to index
      %get3A_651 = arith.index_cast %add3A_646 : i32 to index
      %get3A_652 = arith.index_cast %add3A_648 : i32 to index
      %get3A_653 = tpu.vector_load %arg8[%get3A_650, %get3A_651, %get3A_652] {strides = array<i32>} : memref<4x128x128xf32, #tpu.memory_space<vmem>>, vector<1x1x16xf32>,
      %get3A_654 = vector.shape_cast %get3A_653 : vector<1x1x16xf32> to vector<16xf32>
      %abs3A_655 = math.absf %get3A_654 : vector<16xf32>
      %sub3A = arith.subf %get3A_622, %get3A_642 : vector<16xf32>
      %abs3A_656 = math.absf %sub3A : vector<16xf32>
      %add3A_657 = arith.addf %abs3A, %abs3A_655 : vector<16xf32>
      %sub3A_658 = arith.subf %add3A_657, %abs3A_656 : vector<16xf32>
      %max3A = arith.constant 0.000000e+00 : f32
      %max3A_659 = vector.broadcast %max3A : f32 to vector<16xf32>
      %max3A_660 = arith.maximumf %sub3A_658, %max3A_659 : vector<16xf32>
      %mul3A_661 = arith.mulf %max3A_660, %max3A_660 : vector<16xf32>
      %add3A_662 = arith.addf %scan3A_590, %mul3A_661 : vector<16xf32>
      scf.yield %add3A_662 : vector<16xf32>
    }
    %scan3A_570 = arith.constant 64 : i32
    %scan3A_571 = arith.constant 0 : i32
    %scan3A_572 = arith.constant 64 : i32
    %scan3A_573 = arith.addi %scan3A_571, %scan3A_572 : i32
    %scan3A_574 = arith.constant 1 : i32
    %scan3A_575 = scf.for %scan3A_589 = %scan3A_571 to %scan3A_573 step %scan3A_574 iter_args(%scan3A_590 = %scan3A_569) -> (vector<16xf32>)  : i32 {
      %mul3A_591 = arith.constant 2 : i32
      %mul3A_592 = arith.muli %mul3A_591, %scan3A_589 : i32
      %get3A_593 = arith.constant 3 : i32
      %get3A_594 = arith.index_cast %get3A_593 : i32 to index
      %get3A_595 = arith.index_cast %mul3A_592 : i32 to index
      %get3A_596 = tpu.vector_load %arg6[%get3A_594, %get3A_595] {strides = array<i32>} : memref<4x128xi32, #tpu.memory_space<vmem>>, vector<1x1xi32>,
      %get3A_597 = vector.shape_cast %get3A_596 : vector<1x1xi32> to vector<1xi32>
      %squeeze3A = vector.extract %get3A_597[0] : i32 from vector<1xi32>
      %mul3A_598 = arith.constant 2 : i32
      %mul3A_599 = arith.muli %mul3A_598, %scan3A_589 : i32
      %add3A_600 = arith.constant 1 : i32
      %add3A_601 = arith.addi %mul3A_599, %add3A_600 : i32
      %get3A_602 = arith.constant 3 : i32
      %get3A_603 = arith.index_cast %get3A_602 : i32 to index
      %get3A_604 = arith.index_cast %add3A_601 : i32 to index
      %get3A_605 = tpu.vector_load %arg6[%get3A_603, %get3A_604] {strides = array<i32>} : memref<4x128xi32, #tpu.memory_space<vmem>>, vector<1x1xi32>,
      %get3A_606 = vector.shape_cast %get3A_605 : vector<1x1xi32> to vector<1xi32>
      %squeeze3A_607 = vector.extract %get3A_606[0] : i32 from vector<1xi32>
      %and3A = arith.constant 3 : i32
      %and3A_608 = arith.andi %squeeze3A, %and3A : i32
      %mul3A_609 = arith.constant 32 : i32
      %mul3A_610 = arith.muli %and3A_608, %mul3A_609 : i32
      %and3A_611 = arith.constant 3 : i32
      %and3A_612 = arith.andi %squeeze3A_607, %and3A_611 : i32
      %mul3A_613 = arith.constant 32 : i32
      %mul3A_614 = arith.muli %and3A_612, %mul3A_613 : i32
      %mul3A_615 = arith.constant 2 : i32
      %mul3A_616 = arith.muli %mul3A_615, %scan3A_589 : i32
      %get3A_617 = arith.constant 3 : i32
      %get3A_618 = arith.index_cast %get3A_617 : i32 to index
      %get3A_619 = arith.index_cast %mul3A_616 : i32 to index
      %get3A_620 = arith.index_cast %mul3A_610 : i32 to index
      %get3A_621 = tpu.vector_load %arg8[%get3A_618, %get3A_619, %get3A_620] {strides = array<i32>} : memref<4x128x128xf32, #tpu.memory_space<vmem>>, vector<1x1x16xf32>,
      %get3A_622 = vector.shape_cast %get3A_621 : vector<1x1x16xf32> to vector<16xf32>
      %mul3A_623 = arith.constant 2 : i32
      %mul3A_624 = arith.muli %mul3A_623, %scan3A_589 : i32
      %add3A_625 = arith.constant 16 : i32
      %add3A_626 = arith.addi %mul3A_610, %add3A_625 : i32
      %get3A_627 = arith.constant 3 : i32
      %get3A_628 = arith.index_cast %get3A_627 : i32 to index
      %get3A_629 = arith.index_cast %mul3A_624 : i32 to index
      %get3A_630 = arith.index_cast %add3A_626 : i32 to index
      %get3A_631 = tpu.vector_load %arg8[%get3A_628, %get3A_629, %get3A_630] {strides = array<i32>} : memref<4x128x128xf32, #tpu.memory_space<vmem>>, vector<1x1x16xf32>,
      %get3A_632 = vector.shape_cast %get3A_631 : vector<1x1x16xf32> to vector<16xf32>
      %abs3A = math.absf %get3A_632 : vector<16xf32>
      %mul3A_633 = arith.constant 2 : i32
      %mul3A_634 = arith.muli %mul3A_633, %scan3A_589 : i32
      %add3A_635 = arith.constant 1 : i32
      %add3A_636 = arith.addi %mul3A_634, %add3A_635 : i32
      %get3A_637 = arith.constant 3 : i32
      %get3A_638 = arith.index_cast %get3A_637 : i32 to index
      %get3A_639 = arith.index_cast %add3A_636 : i32 to index
      %get3A_640 = arith.index_cast %mul3A_614 : i32 to index
      %get3A_641 = tpu.vector_load %arg8[%get3A_638, %get3A_639, %get3A_640] {strides = array<i32>} : memref<4x128x128xf32, #tpu.memory_space<vmem>>, vector<1x1x16xf32>,
      %get3A_642 = vector.shape_cast %get3A_641 : vector<1x1x16xf32> to vector<16xf32>
      %mul3A_643 = arith.constant 2 : i32
      %mul3A_644 = arith.muli %mul3A_643, %scan3A_589 : i32
      %add3A_645 = arith.constant 1 : i32
      %add3A_646 = arith.addi %mul3A_644, %add3A_645 : i32
      %add3A_647 = arith.constant 16 : i32
      %add3A_648 = arith.addi %mul3A_614, %add3A_647 : i32
      %get3A_649 = arith.constant 3 : i32
      %get3A_650 = arith.index_cast %get3A_649 : i32 to index
      %get3A_651 = arith.index_cast %add3A_646 : i32 to index
      %get3A_652 = arith.index_cast %add3A_648 : i32 to index
      %get3A_653 = tpu.vector_load %arg8[%get3A_650, %get3A_651, %get3A_652] {strides = array<i32>} : memref<4x128x128xf32, #tpu.memory_space<vmem>>, vector<1x1x16xf32>,
      %get3A_654 = vector.shape_cast %get3A_653 : vector<1x1x16xf32> to vector<16xf32>
      %abs3A_655 = math.absf %get3A_654 : vector<16xf32>
      %sub3A = arith.subf %get3A_622, %get3A_642 : vector<16xf32>
      %abs3A_656 = math.absf %sub3A : vector<16xf32>
      %add3A_657 = arith.addf %abs3A, %abs3A_655 : vector<16xf32>
      %sub3A_658 = arith.subf %add3A_657, %abs3A_656 : vector<16xf32>
      %max3A = arith.constant 0.000000e+00 : f32
      %max3A_659 = vector.broadcast %max3A : f32 to vector<16xf32>
      %max3A_660 = arith.maximumf %sub3A_658, %max3A_659 : vector<16xf32>
      %mul3A_661 = arith.mulf %max3A_660, %max3A_660 : vector<16xf32>
      %add3A_662 = arith.addf %scan3A_590, %mul3A_661 : vector<16xf32>
      scf.yield %add3A_662 : vector<16xf32>
    }
    %scan3A_576 = arith.constant 64 : i32
    %swap3A_577 = arith.constant 0 : i32
    %swap3A_578 = arith.index_cast %swap3A_577 : i32 to index
    %swap3A_579 = arith.constant 0 : index
    %swap3A_580 = tpu.vector_load %arg9[%swap3A_578, %swap3A_579] {strides = array<i32>} : memref<2x16xf32, #tpu.memory_space<vmem>>, vector<1x16xf32>,
    %swap3A_581 = vector.shape_cast %swap3A_580 : vector<1x16xf32> to vector<16xf32>
    %swap3A_582 = vector.shape_cast %scan3A_563 : vector<16xf32> to vector<1x16xf32>
    tpu.vector_store %arg9[%swap3A_578, %swap3A_579], %swap3A_582 {strides = array<i32>} : memref<2x16xf32, #tpu.memory_space<vmem>>, vector<1x16xf32>,
    %swap3A_583 = arith.constant 1 : i32
    %swap3A_584 = arith.index_cast %swap3A_583 : i32 to index
    %swap3A_585 = arith.constant 0 : index
    %swap3A_586 = tpu.vector_load %arg9[%swap3A_584, %swap3A_585] {strides = array<i32>} : memref<2x16xf32, #tpu.memory_space<vmem>>, vector<1x16xf32>,
    %swap3A_587 = vector.shape_cast %swap3A_586 : vector<1x16xf32> to vector<16xf32>
    %swap3A_588 = vector.shape_cast %scan3A_575 : vector<16xf32> to vector<1x16xf32>
    tpu.vector_store %arg9[%swap3A_584, %swap3A_585], %swap3A_588 {strides = array<i32>} : memref<2x16xf32, #tpu.memory_space<vmem>>, vector<1x16xf32>,
    "tpu.region"() ({
      %run_scoped3A_589 = tpu.sem_alloc : memref<!tpu.dma_semaphore, #tpu.memory_space<semaphore_mem>>
      %dma_start3A_590 = arith.constant 0 : i32
      %dma_start3A_591 = arith.constant 0 : i32
      %dma_start3A_592 = tpu.memref_slice %arg5[%add3A, %dma_start3A_590, %dma_start3A_591] : memref<32x2x16xf32, #tpu.memory_space<hbm>> -> memref<1x2x16xf32, #tpu.memory_space<hbm>>
      %dma_start3A_593 = tpu.memref_squeeze %dma_start3A_592 : memref<1x2x16xf32, #tpu.memory_space<hbm>> -> memref<2x16xf32, #tpu.memory_space<hbm>>
      %dma_start3A_594 = arith.constant 0 : i32
      %dma_start3A_595 = arith.constant 0 : i32
      %dma_start3A_596 = tpu.memref_slice %arg5[%add3A, %dma_start3A_594, %dma_start3A_595] : memref<32x2x16xf32, #tpu.memory_space<hbm>> -> memref<1x2x16xf32, #tpu.memory_space<hbm>>
      %dma_start3A_597 = tpu.memref_squeeze %dma_start3A_596 : memref<1x2x16xf32, #tpu.memory_space<hbm>> -> memref<2x16xf32, #tpu.memory_space<hbm>>
      tpu.enqueue_dma source(%arg9 : memref<2x16xf32, #tpu.memory_space<vmem>>) target(%dma_start3A_597 : memref<2x16xf32, #tpu.memory_space<hbm>>) target_semaphore(%run_scoped3A_589 : memref<!tpu.dma_semaphore, #tpu.memory_space<semaphore_mem>>)
      %dma_wait3A_598 = arith.constant 0 : i32
      %dma_wait3A_599 = arith.constant 0 : i32
      %dma_wait3A_600 = tpu.memref_slice %arg5[%add3A, %dma_wait3A_598, %dma_wait3A_599] : memref<32x2x16xf32, #tpu.memory_space<hbm>> -> memref<1x2x16xf32, #tpu.memory_space<hbm>>
      %dma_wait3A_601 = tpu.memref_squeeze %dma_wait3A_600 : memref<1x2x16xf32, #tpu.memory_space<hbm>> -> memref<2x16xf32, #tpu.memory_space<hbm>>
      %dma_wait3A_602 = arith.constant 0 : i32
      %dma_wait3A_603 = arith.constant 0 : i32
      %dma_wait3A_604 = tpu.memref_slice %arg5[%add3A, %dma_wait3A_602, %dma_wait3A_603] : memref<32x2x16xf32, #tpu.memory_space<hbm>> -> memref<1x2x16xf32, #tpu.memory_space<hbm>>
      %dma_wait3A_605 = tpu.memref_squeeze %dma_wait3A_604 : memref<1x2x16xf32, #tpu.memory_space<hbm>> -> memref<2x16xf32, #tpu.memory_space<hbm>>
      tpu.wait_dma2 semaphore(%run_scoped3A_589 : memref<!tpu.dma_semaphore, #tpu.memory_space<semaphore_mem>>) src(%arg9 : memref<2x16xf32, #tpu.memory_space<vmem>>) dst(%dma_wait3A_605 : memref<2x16xf32, #tpu.memory_space<hbm>>)
      tpu.yield
    }) : () -> ()
    return
  }
}

module attributes {stable_mosaic.version = 14 : i64} {
  func.func @body(%arg0: i32, %arg1: memref<16x65536xf32, #tpu.memory_space<vmem>>, %arg2: memref<1x1xf32, #tpu.memory_space<vmem>>) attributes {dimension_semantics = [#tpu.dimension_semantics<arbitrary>], iteration_bounds = array<i64: 16>, scalar_prefetch = 0 : i64, scratch_operands = 0 : i64, tpu.core_type = #tpu.core_type<tc>, window_params = [{transform_indices = @transform_0, window_bounds = array<i64: 16, 65536>}, {pipeline_mode = #tpu.pipeline_mode<synchronous>, transform_indices = @transform_1, window_bounds = array<i64: 1, 1>}]} {
    %get3A = arith.constant 0 : index
    %get3A_0 = arith.constant 0 : index
    %get3A_1 = vector.load %arg1[%get3A, %get3A_0] : memref<16x65536xf32, #tpu.memory_space<vmem>>, vector<16x65536xf32>
    %mul3A = arith.mulf %get3A_1, %get3A_1 : vector<16x65536xf32>
    %reduce_sum3A = arith.constant dense<0.000000e+00> : vector<65536xf32>
    %reduce_sum3A_2 = vector.multi_reduction <add>, %mul3A, %reduce_sum3A [0] : vector<16x65536xf32> to vector<65536xf32>
    %broadcast_in_dim3A = vector.shape_cast %reduce_sum3A_2 : vector<65536xf32> to vector<1x65536xf32>
    %mul3A_3 = arith.constant 65536 : i32
    %mul3A_4 = arith.muli %arg0, %mul3A_3 : i32
    %iota3A = tpu.iota {dimensions = array<i32: 1>} : vector<1x65536xi32>
    %add3A = vector.broadcast %mul3A_4 : i32 to vector<1x65536xi32>
    %add3A_5 = arith.addi %add3A, %iota3A : vector<1x65536xi32>
    %lt3A = arith.constant 1000000 : i32
    %lt3A_6 = vector.broadcast %lt3A : i32 to vector<1x65536xi32>
    %lt3A_7 = arith.cmpi slt, %add3A_5, %lt3A_6 : vector<1x65536xi32>
    %jit3A = arith.constant 0.000000e+00 : f32
    %broadcast_in_dim3A_8 = vector.broadcast %jit3A : f32 to vector<1x65536xf32>
    %select_n3A = arith.select %lt3A_7, %broadcast_in_dim3A, %broadcast_in_dim3A_8 : vector<1x65536xi1>, vector<1x65536xf32>
    %sqrt3A = math.sqrt %select_n3A : vector<1x65536xf32>
    %reduce_sum3A_9 = vector.shape_cast %sqrt3A : vector<1x65536xf32> to vector<1x1x65536xf32>
    %reduce_sum3A_10 = arith.constant dense<0.000000e+00> : vector<1xf32>
    %reduce_sum3A_11 = vector.multi_reduction <add>, %reduce_sum3A_9, %reduce_sum3A_10 [1, 2] : vector<1x1x65536xf32> to vector<1xf32>
    %reduce_sum3A_12 = vector.shape_cast %reduce_sum3A_11 : vector<1xf32> to vector<1x1x1xf32>
    %reduce_sum3A_13 = vector.extract %reduce_sum3A_12[0, 0, 0] : f32 from vector<1x1x1xf32>
    %eq3A = arith.constant 0 : i32
    %eq3A_14 = arith.cmpi eq, %arg0, %eq3A : i32
    %convert_element_type3A = arith.extui %eq3A_14 : i1 to i32
    %cond3A = arith.constant 0 : i32
    %cond3A_15 = arith.cmpi ne, %convert_element_type3A, %cond3A : i32
    scf.if %cond3A_15 {
      %broadcast_in_dim3A_23 = arith.constant 0.000000e+00 : f32
      %broadcast_in_dim3A_24 = vector.broadcast %broadcast_in_dim3A_23 : f32 to vector<1x1xf32>
      %swap3A_25 = arith.constant 0 : index
      %swap3A_26 = arith.constant 0 : index
      %swap3A_27 = vector.load %arg2[%swap3A_25, %swap3A_26] : memref<1x1xf32, #tpu.memory_space<vmem>>, vector<1x1xf32>
      tpu.vector_store %arg2[%swap3A_25, %swap3A_26], %broadcast_in_dim3A_24 {strides = array<i32>} : memref<1x1xf32, #tpu.memory_space<vmem>>, vector<1x1xf32>,
    } else {
    }
    %get3A_16 = arith.constant 0 : index
    %get3A_17 = arith.constant 0 : index
    %get3A_18 = vector.load %arg2[%get3A_16, %get3A_17] : memref<1x1xf32, #tpu.memory_space<vmem>>, vector<1x1xf32>
    %add3A_19 = vector.broadcast %reduce_sum3A_13 : f32 to vector<1x1xf32>
    %add3A_20 = arith.addf %get3A_18, %add3A_19 : vector<1x1xf32>
    %swap3A = arith.constant 0 : index
    %swap3A_21 = arith.constant 0 : index
    %swap3A_22 = vector.load %arg2[%swap3A, %swap3A_21] : memref<1x1xf32, #tpu.memory_space<vmem>>, vector<1x1xf32>
    tpu.vector_store %arg2[%swap3A, %swap3A_21], %add3A_20 {strides = array<i32>} : memref<1x1xf32, #tpu.memory_space<vmem>>, vector<1x1xf32>,
    return
  }
  func.func @transform_0(%arg0: i32) -> (i32, i32) {
    %c0_i32 = arith.constant 0 : i32
    %c0_i32_0 = arith.constant 0 : i32
    return %c0_i32, %arg0 : i32, i32
  }
  func.func @transform_1(%arg0: i32) -> (i32, i32) {
    %c0_i32 = arith.constant 0 : i32
    %c0_i32_0 = arith.constant 0 : i32
    %c0_i32_1 = arith.constant 0 : i32
    return %c0_i32, %c0_i32_0 : i32, i32
  }
}

</mosaic_0001>

<sc_bundles>
// kernel: kernel.4.cloned.1.call-start
scs
__scs_entry_jumppad:
0x0: {  	(pc) =	sbr.rel $0x88, $3  }
0x1: {  	(tag) =	ssettag $0x0;
	lr =	simm.s32 $0x1  }
0x2: {  	[smem:$0x3F9D] =	sst lr;
	_ =	strace $0xD0000000  }
0x3: {  	_ = 	snop  }
0x4: {  	_ = 	snop  }
0x5: {  	_ = 	snop  }
0x6: {  	_ = 	snop  }
0x7: {  	_ = 	snop  }
__scs_overlays_trampoline_lowered:
0x8: {  	[smem:$0x3FAC] =	sst s0  }
0x9: {  	[smem:$0x3FAD] =	sst s1  }
0xa: {  	[smem:$0x3FAE] =	sst s2  }
0xb: {  	[smem:$0x3FAF] =	sst s3  }
0xc: {  	[smem:$0x3FB0] =	sst s4  }
0xd: {  	[smem:$0x3FB1] =	sst s5  }
0xe: {  	[smem:$0x3FB2] =	sst s6  }
0xf: {  	[smem:$0x3FB3] =	sst s7  }
0x10: {  	[smem:$0x3FB4] =	sst s8  }
0x11: {  	[smem:$0x3FB5] =	sst s9;
	s0 =	simm.s32 @!p0 $0x0  }
0x12: {  	s1 =	sld [smem:$0x3F9B];
	s0 =	simm.s32 @p0 $0x1  }
0x13: {  	[smem:$0x3FB6] =	sst s0;
	s0 =	simm.s32 @!p1 $0x0  }
0x14: {  	s2 =	sld [smem:$0x3F9A];
	s0 =	simm.s32 @p1 $0x1  }
0x15: {  	[smem:$0x3FB7] =	sst s0;
	s0 =	simm.s32 @!p2 $0x0  }
0x16: {  	s3 =	sld [smem:$0x3FDB];
	s0 =	simm.s32 @p2 $0x1  }
0x17: {  	s4 =	simm.s32 $0x1BF5;
	[smem:$0x3FB9] =	sst s0  }
0x18: {  	s0 =	sld [smem:$0x3F9C];
	_ =	swait.ge [sflag:s4], $0x0  }
0x19: {  	s7 =	sld [smem:$0x3F9D]  }
0x1a: {  	s8 =	sadd.s32 $0xFFFFE003, lr  }
0x1b: {  	s9 =	sadd.s32 $0xFFFFFEF7, lr;
	s5 =	simm.s32 $0xFFFFFFFF;
	p2 =	slt.u32 s8, $0xFFFFF086  }
0x1c: {  	p1 =	slt.u32 s9, $0xF7A;
	s5 =	simm.s32 @!p2 $0x0  }
0x1d: {  	s5 =	simm.s32 @p1 $0x1;
	p0 =	seq.s32 s7, s2  }
0x1e: {  	s7 =	smul.u32 @!p0 $0xF7A, s2;
	p2 =	seq.s32 @!p0 s5, $0x0  }
0x1f: {  	s9 =	smul.u32 $0xF7A, s1;
	s8 =	simm.s32 @!p0 $0x1BF5;
	p2 =	por !p2, p0  }
0x20: {  	[sflag:s8] =	ssyncset.s32 @!p0 $0xFFFFF086;
	s6 =	sadd.s32 @!p0 s3, s7;
	s7 =	simm.s32 @!p0 $0x108  }
0x21: {  	s3 =	sadd.s32 s3, s9;
	s6 =	sadd.s32 @!p0 $0x88, s6;
	s7 =	simm.s32 @p2 $0x1082  }
0x22: {  	[simem:s7], [sflag:s8] =	dma.local @!p0 [hbm:s6], $0xF7A  }
0x23: {  	s9 =	sor.u32 $0xD0000000, s2;
	s6 =	simm.s32 $0x108;
	_ =	swait.ge @!p0 [sflag:s8], $0x0  }
0x24: {  	s3 =	sadd.s32 $0x88, s3;
	s6 =	simm.s32 @!p1 $0x1082;
	[sflag:s4] =	ssyncset.s32 $0xFFFFF086  }
0x25: {  	[simem:s6], [sflag:s4] =	dma.local [hbm:s3], $0xF7A  }
0x26: {  	[smem:$0x3F9D] =	sst s1;
	(tag) =	ssettag s2;
	_ =	strace s9  }
0x27: {  	s1 =	sld [smem:$0x3FAD]  }
0x28: {  	s2 =	sld [smem:$0x3FAE]  }
0x29: {  	s4 =	sld [smem:$0x3FB0]  }
0x2a: {  	p0 =	seq.s32 s5, $0x0;
	s5 =	sld [smem:$0x3FB1]  }
0x2b: {  	s6 =	sld [smem:$0x3FB2]  }
0x2c: {  	s7 =	sld [smem:$0x3FB3]  }
0x2d: {  	s3 =	simm.s32 $0x108;
	s8 =	sld [smem:$0x3FB4]  }
0x2e: {  	s3 =	simm.s32 @!p0 $0x1082;
	s9 =	sld [smem:$0x3FB5]  }
0x2f: {  	lr =	sadd.s32 s0, s3;
	s0 =	sld [smem:$0x3FAC]  }
0x30: {  	s3 =	sld [smem:$0x3FAF]  }
0x31: {  	[smem:$0x3FB8] =	sst s10  }
0x32: {  	s10 =	sld [smem:$0x3FB6];
	_ =	sdelay $0x3  }
0x33: {  	p0 =	seq.s32 s10, $0x1;
	s10 =	sld [smem:$0x3FB8];
	_ =	sdelay $0x3  }
0x34: {  	[smem:$0x3FB8] =	sst s10  }
0x35: {  	s10 =	sld [smem:$0x3FB7];
	_ =	sdelay $0x3  }
0x36: {  	p1 =	seq.s32 s10, $0x1;
	s10 =	sld [smem:$0x3FB8];
	_ =	sdelay $0x3  }
0x37: {  	[smem:$0x3FB8] =	sst s10  }
0x38: {  	s10 =	sld [smem:$0x3FB9]  }
0x39: {  	_ = 	snop;
	(pc) =	sbr.ind lr, $3  }
0x3a: {  	_ = 	snop  }
0x3b: {  	_ = 	snop  }
0x3c: {  	p2 =	seq.s32 s10, $0x1;
	s10 =	sld [smem:$0x3FB8]  }
0x3d: {  	_ =	shalt  }
0x3e: {  	_ =	shalt  }
0x3f: {  	_ =	shalt  }
0x40: {  	_ =	shalt  }
0x41: {  	_ =	shalt  }
0x42: {  	_ =	shalt  }
0x43: {  	_ =	shalt  }
0x44: {  	_ =	shalt  }
0x45: {  	_ =	shalt  }
0x46: {  	_ =	shalt  }
0x47: {  	_ =	shalt  }
0x48: {  	_ =	shalt  }
0x49: {  	_ =	shalt  }
0x4a: {  	_ =	shalt  }
0x4b: {  	_ =	shalt  }
0x4c: {  	_ =	shalt  }
0x4d: {  	_ =	shalt  }
0x4e: {  	_ =	shalt  }
0x4f: {  	_ =	shalt  }
0x50: {  	_ =	shalt  }
0x51: {  	_ =	shalt  }
0x52: {  	_ =	shalt  }
0x53: {  	_ =	shalt  }
0x54: {  	_ =	shalt  }
0x55: {  	_ =	shalt  }
0x56: {  	_ =	shalt  }
0x57: {  	_ =	shalt  }
0x58: {  	_ =	shalt  }
0x59: {  	_ =	shalt  }
0x5a: {  	_ =	shalt  }
0x5b: {  	_ =	shalt  }
0x5c: {  	_ =	shalt  }
0x5d: {  	_ =	shalt  }
0x5e: {  	_ =	shalt  }
0x5f: {  	_ =	shalt  }
0x60: {  	_ =	shalt  }
0x61: {  	_ =	shalt  }
0x62: {  	_ =	shalt  }
0x63: {  	_ =	shalt  }
0x64: {  	_ =	shalt  }
0x65: {  	_ =	shalt  }
0x66: {  	_ =	shalt  }
0x67: {  	_ =	shalt  }
0x68: {  	_ =	shalt  }
0x69: {  	_ =	shalt  }
0x6a: {  	_ =	shalt  }
0x6b: {  	_ =	shalt  }
0x6c: {  	_ =	shalt  }
0x6d: {  	_ =	shalt  }
0x6e: {  	_ =	shalt  }
0x6f: {  	_ =	shalt  }
0x70: {  	_ =	shalt  }
0x71: {  	_ =	shalt  }
0x72: {  	_ =	shalt  }
0x73: {  	_ =	shalt  }
0x74: {  	_ =	shalt  }
0x75: {  	_ =	shalt  }
0x76: {  	_ =	shalt  }
0x77: {  	_ =	shalt  }
0x78: {  	_ =	shalt  }
0x79: {  	_ =	shalt  }
0x7a: {  	_ =	shalt  }
0x7b: {  	_ =	shalt  }
0x7c: {  	_ =	shalt  }
0x7d: {  	_ =	shalt  }
0x7e: {  	_ =	shalt  }
0x7f: {  	_ =	shalt  }
0x80: {  	_ =	shalt  }
0x81: {  	_ =	shalt  }
0x82: {  	_ =	shalt  }
0x83: {  	_ =	shalt  }
0x84: {  	_ =	shalt  }
0x85: {  	_ =	shalt  }
0x86: {  	_ =	shalt  }
0x87: {  	_ =	shalt  }
.Lfunc_end0:
.L_simem_size_0:
called_computation_lowered:
.L_overlay_start_0:
0x88: {  	s2 =	sld [smem:$0x3FD9]  }
0x89: {  	s3 =	sld [smem:$0x3FFE];
	_ =	sdelay $0x1  }
0x8a: {  	s1 =	srdreg.scid  }
0x8b: {  	s0 =	sand.u32 $0x1, s1  }
0x8c: {  	s16 =	sshll.u32 s0, $0xA;
	s2 =	sadd.s32 s3, s2  }
0x8d: {  	s2 =	sadd.s32 s2, s16  }
0x8e: {  	[smem:$0x3FC4] =	sst s2  }
0x8f: {  	_ = 	snop  }
0x90: {  	(tm) =	ssettm $0x1  }
0x91: {  	s17 =	sld [smem:$0x3FFB];
	_ =	sdelay $0x3  }
0x92: {  	_ =	strace s17  }
0x93: {  	s2 =	sld [smem:$0x3FFC];
	_ =	sdelay $0x3  }
0x94: {  	_ =	strace s2  }
0x95: {  	s2 =	sld [smem:$0x3FFD];
	_ =	sdelay $0x3  }
0x96: {  	_ =	strace s2  }
0x97: {  	_ =	strace $0x8FFFFFFF  }
0x98: {  	s18 =	sld [smem:$0x3FDB];
	_ =	sdelay $0x1  }
0x99: {  	s19 =	simm.s32 $_scs_section_size  }
0x9a: {  	s4 =	simm.s32 $_size__tile_overlayer_lowered;
	s5 =	simm.s32 $_tile_overlayer_lowered  }
0x9b: {  	s22 =	simm.s32 $0x1BFF;
	s21 =	sshll.u32 s5, $0x1;
	s2 =	sadd.s32 s19, s18  }
0x9c: {  	s6 =	simm.s32 $0x0;
	s20 =	sshll.u32 s4, $0x1;
	s4 =	sadd.s32 s21, s2  }
0x9d: {  	[timem:s6], [sflag:s22] =	dma.local [hbm:s4], s20  }
0x9e: {  	_ =	swait.ge [sflag:s22], s20  }
0x9f: {  	s3 =	ssub.s32 $0x0, s20;
	[sflag:s22] =	ssyncset.done $0x0  }
0xa0: {  	[sflag:s22] =	ssyncadd.s32 s3;
	_ =	sdelay $0x1  }
0xa1: {  	s23 =	simm.s32 $0x1B8B  }
0xa2: {  	_ =	swait.ge [sflag:s23], $0x1  }
0xa3: {  	[sflag:s23] =	ssyncset.done $0x0  }
0xa4: {  	s25 =	simm.s32 $0x1B8E;
	s24 =	sld [smem:$0x3FFE];
	[sflag:s23] =	ssyncadd.s32 $0xFFFFFFFF  }
0xa5: {  	s26 =	simm.s32 $execute0_lowered;
	[smem:$0x3FD2] =	sst s25  }
0xa6: {  	s4 =	sshll.u32 s26, $0x1;
	_ =	strace $0x80000046;
	[dreg:$0x1] =	wrdreg $0xFFFFFFFF  }
0xa7: {  	s28 =	simm.s32 $_size_execute0_lowered;
	s2 =	sadd.s32 s2, s4;
	[dreg:$0x0] =	wrdreg $0x0  }
0xa8: {  	s4 =	sshll.u32 s28, $0x1;
	[dreg:$0x2] =	wrdreg s2  }
0xa9: {  	[dreg:$0x3] =	wrdreg s4  }
0xaa: {  	[dreg:$0x4] =	wrdreg $0xC0  }
0xab: {  	_ =	task [dreg:s6], $0x5FFFF  }
0xac: {  	[dreg:$0x1] =	wrdreg $0xFFFFFFFF  }
0xad: {  	[dreg:$0x0] =	wrdreg $0x60  }
0xae: {  	[dreg:$0x2] =	wrdreg s24  }
0xaf: {  	[dreg:$0x3] =	wrdreg $0x9  }
0xb0: {  	_ =	task.clear_ibuf [dreg:s6], $0x4FFFF;
	_ =	strace $0x90000046  }
0xb1: {  	s29 =	simm.s32 $0x9;
	_ =	strace $0x80000048  }
0xb2: {  	_ =	swait.ge [sflag:s29], $0x1  }
0xb3: {  	[sflag:s29] =	ssyncadd.s32 $0xFFFFFFFF  }
0xb4: {  	_ =	strace $0x90000048  }
0xb5: {  	_ =	sfence  }
0xb6: {  	s30 =	sld [smem:$0x0];
	_ =	sdelay $0x2  }
0xb7: {  	s31 =	sshll.u32 s1, $0xD;
	s1 =	sshrl.u32 s1, $0x2  }
0xb8: {  	s3 =	sand.u32 $0x4000, s31;
	s1 =	sadd.s32 s1, s30  }
0xb9: {  	s0 =	sor.u32 s3, s0;
	s1 =	sshll.u32 s1, $0x11  }
0xba: {  	s0 =	sor.u32 s1, s0  }
0xbb: {  	s0 =	sadd.s32 $0x8F2B, s0  }
0xbc: {  	[sflag:s0] =	ssyncadd.remote.s32 $0x1  }
0xbd: {  	_ =	sfence.sel $0xFFFF  }
0xbe: {  	[dreg:$0x0] =	wrdreg $0xFFFFFFFF;
	(pc) =	sbr.abs _section_cstart, $3  }
0xbf: {  	[dreg:$0x1] =	wrdreg $0xFFFFFFFF  }
0xc0: {  	_ =	task.clear_ibuf [dreg:s6], $0x2FFFF;
	_ =	strace $0x9FFFFFFF  }
0xc1: {  	(tm) =	ssettm $0x7FFFFFFF  }
tec
execute0_lowered:
.L_overlay_start_1:
0x0: {  	(tag) =	ssettag $0x1  }
0x1: {  	s0 =	rddreg [dreg:$0x0]  }
0x2: {  	s6 =	simm.s32 $0x0;
	s1 =	srdreg.scid;
	s2 =	stileid.u32  }
0x3: {  	[smem:$0x7FF] =	sst s6;
	s1 =	sand.u32 $0x1, s1;
	s2 =	sshll.u32 s2, $0x1  }
0x4: {  	s3 =	sadd.s32 $0x400, s0;
	s4 =	sadd.s32 $0xF42400, s0;
	s2 =	sor.u32 s1, s2  }
0x5: {  	_ =	strace $0x80000047;
	s26 =	sshll.u32 s2, $0x2;
	s2 =	sshll.u32 s2, $0x5  }
0x6: {  	s1 =	ssub.s32 $0x2, s1;
	[dreg:$0x2] =	wrdreg s4;
	s28 =	sadd.s32 s3, s2  }
0x7: {  	s29 =	sadd.s32 s0, s2;
	s2 =	sor.u32 $0x10, s2;
	[dreg:$0x3] =	wrdreg s28  }
0x8: {  	s5 =	sshrl.u32 s1, $0x1;
	[dreg:$0x4] =	wrdreg s29;
	s3 =	sadd.s32 s3, s2  }
0x9: {  	s4 =	sadd.s32 s26, s0;
	s0 =	sadd.s32 s0, s2;
	[dreg:$0x5] =	wrdreg s3  }
0xa: {  	s1 =	ssub.s32 s1, s5;
	s30 =	sadd.s32 $0x800, s4;
	[dreg:$0x6] =	wrdreg s0  }
0xb: {  	s31 =	smax.u32 s1, $0x1;
	[dreg:$0x7] =	wrdreg s30  }
0xc: {  	s1 =	simm.s32 $0x2;
	s2 =	simm.s32 $0x0;
	[dreg:$0x8] =	wrdreg s31  }
.LBB2_1:
0xd: {  	[dreg:$0x9] =	wrdreg s2  }
0xe: {  	s0 =	rddreg [dreg:$0x3]  }
0xf: {  	[tilespmem:s6], [sflag:$0x2] =	stream.linear.gather [hbm4b:s0+s6], $0x80, $0x38;
	[tilespmem:$0x10420] =	vst v63  }
0x10: {  	_ =	swait.ge [sflag:s1], $0x80  }
0x11: {  	[sflag:s1] =	ssyncset.done $0x0  }
0x12: {  	s25 =	simm.s32 $0x100;
	s24 =	rddreg [dreg:$0x4];
	[sflag:s1] =	ssyncadd.s32 $0xFFFFFF80  }
0x13: {  	[tilespmem:s25], [sflag:$0x2] =	stream.linear.gather [hbm4b:s24+s6], $0x80, $0x38;
	[tilespmem:$0x10420] =	vst v63  }
0x14: {  	_ =	swait.ge [sflag:s1], $0x80  }
0x15: {  	[sflag:s1] =	ssyncset.done $0x0  }
0x16: {  	s28 =	simm.s32 $0x80;
	s26 =	rddreg [dreg:$0x5];
	[sflag:s1] =	ssyncadd.s32 $0xFFFFFF80  }
0x17: {  	[tilespmem:s28], [sflag:$0x2] =	stream.linear.gather [hbm4b:s26+s6], $0x80, $0x38;
	[tilespmem:$0x10420] =	vst v63  }
0x18: {  	_ =	swait.ge [sflag:s1], $0x80  }
0x19: {  	[sflag:s1] =	ssyncset.done $0x0  }
0x1a: {  	s3 =	simm.s32 $0x180;
	s29 =	rddreg [dreg:$0x6];
	[sflag:s1] =	ssyncadd.s32 $0xFFFFFF80  }
0x1b: {  	[tilespmem:s3], [sflag:$0x2] =	stream.linear.gather [hbm4b:s29+s6], $0x80, $0x38;
	[tilespmem:$0x10420] =	vst v63  }
0x1c: {  	_ =	swait.ge [sflag:s1], $0x80  }
0x1d: {  	[sflag:s1] =	ssyncset.done $0x0  }
0x1e: {  	[sflag:s1] =	ssyncadd.s32 $0xFFFFFF80  }
0x1f: {  	v0 =	vld [tilespmem:$0x0]  }
0x20: {  	v1 =	vld [tilespmem:$0x10]  }
0x21: {  	v2 =	vld [tilespmem:$0x20]  }
0x22: {  	v3 =	vld [tilespmem:$0x30]  }
0x23: {  	v4 =	vld [tilespmem:$0x40]  }
0x24: {  	v5 =	vld [tilespmem:$0x50];
	v0 =	vshra.s32 v0, $0x2  }
0x25: {  	[tilespmem:$0x200] =	vst v0;
	v0 =	vshra.s32 v1, $0x2;
	v1 =	vld [tilespmem:$0x60]  }
0x26: {  	[tilespmem:$0x210] =	vst v0;
	v0 =	vshra.s32 v2, $0x2;
	v2 =	vld [tilespmem:$0x70]  }
0x27: {  	[tilespmem:$0x220] =	vst v0;
	v0 =	vshra.s32 v3, $0x2;
	v3 =	vld [tilespmem:$0x80]  }
0x28: {  	[tilespmem:$0x230] =	vst v0;
	v0 =	vshra.s32 v4, $0x2;
	v4 =	vld [tilespmem:$0x90]  }
0x29: {  	[tilespmem:$0x240] =	vst v0;
	v0 =	vshra.s32 v5, $0x2;
	v5 =	vld [tilespmem:$0xA0]  }
0x2a: {  	[tilespmem:$0x250] =	vst v0;
	v0 =	vshra.s32 v1, $0x2;
	v1 =	vld [tilespmem:$0xB0]  }
0x2b: {  	[tilespmem:$0x260] =	vst v0;
	v0 =	vshra.s32 v2, $0x2;
	v2 =	vld [tilespmem:$0xC0]  }
0x2c: {  	[tilespmem:$0x270] =	vst v0;
	v0 =	vshra.s32 v3, $0x2;
	v3 =	vld [tilespmem:$0xD0]  }
0x2d: {  	[tilespmem:$0x280] =	vst v0;
	v0 =	vshra.s32 v4, $0x2;
	v4 =	vld [tilespmem:$0xE0]  }
0x2e: {  	[tilespmem:$0x290] =	vst v0;
	v0 =	vshra.s32 v5, $0x2;
	v5 =	vld [tilespmem:$0xF0]  }
0x2f: {  	[tilespmem:$0x2A0] =	vst v0;
	v0 =	vshra.s32 v1, $0x2;
	v1 =	vld [tilespmem:$0x100]  }
0x30: {  	[tilespmem:$0x2B0] =	vst v0;
	v0 =	vshra.s32 v2, $0x2;
	v2 =	vld [tilespmem:$0x110]  }
0x31: {  	[tilespmem:$0x2C0] =	vst v0;
	v0 =	vshra.s32 v3, $0x2;
	v3 =	vld [tilespmem:$0x120]  }
0x32: {  	[tilespmem:$0x2D0] =	vst v0;
	v0 =	vshra.s32 v4, $0x2;
	v4 =	vld [tilespmem:$0x130]  }
0x33: {  	[tilespmem:$0x2E0] =	vst v0;
	v0 =	vshra.s32 v5, $0x2;
	v5 =	vld [tilespmem:$0x140]  }
0x34: {  	[tilespmem:$0x2F0] =	vst v0;
	v0 =	vshra.s32 v1, $0x2;
	v1 =	vld [tilespmem:$0x150]  }
0x35: {  	[tilespmem:$0x300] =	vst v0;
	v0 =	vshra.s32 v2, $0x2;
	v2 =	vld [tilespmem:$0x160]  }
0x36: {  	[tilespmem:$0x310] =	vst v0;
	v0 =	vshra.s32 v3, $0x2;
	v3 =	vld [tilespmem:$0x170]  }
0x37: {  	[tilespmem:$0x320] =	vst v0;
	v0 =	vshra.s32 v4, $0x2;
	v4 =	vld [tilespmem:$0x180]  }
0x38: {  	[tilespmem:$0x330] =	vst v0;
	v0 =	vshra.s32 v5, $0x2;
	v5 =	vld [tilespmem:$0x190]  }
0x39: {  	[tilespmem:$0x340] =	vst v0;
	v0 =	vshra.s32 v1, $0x2;
	v1 =	vld [tilespmem:$0x1A0]  }
0x3a: {  	[tilespmem:$0x350] =	vst v0;
	v0 =	vshra.s32 v2, $0x2;
	v2 =	vld [tilespmem:$0x1B0]  }
0x3b: {  	[tilespmem:$0x360] =	vst v0;
	v0 =	vshra.s32 v3, $0x2;
	v3 =	vld [tilespmem:$0x1C0]  }
0x3c: {  	[tilespmem:$0x370] =	vst v0;
	v0 =	vshra.s32 v4, $0x2;
	v4 =	vld [tilespmem:$0x1D0]  }
0x3d: {  	[tilespmem:$0x380] =	vst v0;
	v0 =	vshra.s32 v5, $0x2;
	v5 =	vld [tilespmem:$0x1E0]  }
0x3e: {  	[tilespmem:$0x390] =	vst v0;
	v0 =	vshra.s32 v1, $0x2;
	v1 =	vld [tilespmem:$0x1F0]  }
0x3f: {  	[tilespmem:$0x3A0] =	vst v0;
	v0 =	vshra.s32 v2, $0x2  }
0x40: {  	[tilespmem:$0x3B0] =	vst v0;
	v0 =	vshra.s32 v3, $0x2  }
0x41: {  	[tilespmem:$0x3C0] =	vst v0;
	v0 =	vshra.s32 v4, $0x2  }
0x42: {  	[tilespmem:$0x3D0] =	vst v0;
	v0 =	vshra.s32 v5, $0x2  }
0x43: {  	[tilespmem:$0x3E0] =	vst v0;
	v0 =	vshra.s32 v1, $0x2  }
0x44: {  	s30 =	simm.s32 $0x400;
	s4 =	simm.s32 $0x200;
	s31 =	rddreg [dreg:$0x2];
	[tilespmem:$0x3F0] =	vst v0  }
0x45: {  	[tilespmem:s30], [sflag:$0x1] =	stream.indirect.gather [hbm4b:s31+s28], $0x80, s4, s28, $0xb8;
	[tilespmem:$0x10420] =	vst v63  }
0x46: {  	s5 =	simm.s32 $0x280;
	s6 =	simm.s32 $0x4400  }
0x47: {  	[tilespmem:s6], [sflag:$0x1] =	stream.indirect.gather [hbm4b:s31+s28], $0x80, s5, s28, $0xb8;
	[tilespmem:$0x10420] =	vst v63  }
0x48: {  	s7 =	simm.s32 $0x300;
	s8 =	simm.s32 $0x8400  }
0x49: {  	[tilespmem:s8], [sflag:$0x1] =	stream.indirect.gather [hbm4b:s31+s28], $0x80, s7, s28, $0xb8;
	[tilespmem:$0x10420] =	vst v63  }
0x4a: {  	s9 =	simm.s32 $0x380;
	s10 =	simm.s32 $0xC400;
	s11 =	simm.s32 $0x1  }
0x4b: {  	[tilespmem:s10], [sflag:$0x1] =	stream.indirect.gather [hbm4b:s31+s28], $0x80, s9, s28, $0xb8;
	[tilespmem:$0x10420] =	vst v63  }
0x4c: {  	_ =	swait.ge [sflag:s11], $0x4000  }
0x4d: {  	[sflag:s11] =	ssyncset.done $0x0  }
0x4e: {  	[sflag:s11] =	ssyncadd.s32 $0xFFFFC000  }
0x4f: {  	_ =	swait.ge [sflag:s11], $0x4000  }
0x50: {  	[sflag:s11] =	ssyncset.done $0x0  }
0x51: {  	[sflag:s11] =	ssyncadd.s32 $0xFFFFC000  }
0x52: {  	_ =	swait.ge [sflag:s11], $0x4000  }
0x53: {  	[sflag:s11] =	ssyncset.done $0x0  }
0x54: {  	[sflag:s11] =	ssyncadd.s32 $0xFFFFC000  }
0x55: {  	_ =	swait.ge [sflag:s11], $0x4000  }
0x56: {  	[sflag:s11] =	ssyncset.done $0x0  }
0x57: {  	s12 =	simm.s32 $0x0;
	[sflag:s11] =	ssyncadd.s32 $0xFFFFC000  }
0x58: {  	v0 =	vld.msk [tilespmem:s12+$0x0], $0x1  }
0x59: {  	v1 =	vld.msk [tilespmem:s12+$0x1], $0x1;
	_ =	sdelay $0x2  }
0x5a: {  	s13 =	simm.s32 $0x2  }
0x5b: {  	(v2sf) =	vpush v0, $0x0;
	v0 =	vld.msk [tilespmem:s13+$0x0], $0x1  }
0x5c: {  	(v2sf) =	vpush v1, $0x0;
	v1 =	vld.msk [tilespmem:s13+$0x1], $0x1;
	_ =	sdelay $0x2  }
0x5d: {  	s14 =	simm.s32 $0x4  }
0x5e: {  	(v2sf) =	vpush v0, $0x0;
	v0 =	vld.msk [tilespmem:s14+$0x0], $0x1  }
0x5f: {  	(v2sf) =	vpush v1, $0x0;
	_ =	sdelay $0x3  }
0x60: {  	(v2sf) =	vpush v0, $0x0  }
0x61: {  	v1 =	vld.msk [tilespmem:s14+$0x1], $0x1;
	_ =	sdelay $0x2  }
0x62: {  	s15 =	simm.s32 $0x6  }
0x63: {  	v0 =	vld.msk [tilespmem:s15+$0x0], $0x1  }
0x64: {  	s17 =	simm.s32 $0x8;
	(v2sf) =	vpush v1, $0x0;
	v1 =	vld.msk [tilespmem:s15+$0x1], $0x1  }
0x65: {  	v2 =	vld.msk [tilespmem:s17+$0x0], $0x1  }
0x66: {  	s21 =	simm.s32 $0xA;
	v4 =	vld.msk [tilespmem:s17+$0x1], $0x1;
	s16 =	spop (v2sf)  }
0x67: {  	v8 =	vld.msk [tilespmem:s21+$0x0], $0x1;
	s1 =	sand.u32 $0x3, s16;
	s18 =	spop (v2sf)  }
0x68: {  	v9 =	vld.msk [tilespmem:s21+$0x1], $0x1;
	(v2sf) =	vpush v0, $0x0;
	s1 =	sshll.u32 s1, $0x5;
	s2 =	sand.u32 $0x3, s18;
	s22 =	spop (v2sf)  }
0x69: {  	s19 =	sadd.s32 $0x400, s1;
	s20 =	sshll.u32 s2, $0x5;
	s4 =	spop (v2sf);
	(v2sf) =	vpush v1, $0x0  }
0x6a: {  	v3 =	vld [tilespmem:s19+$0x0];
	s1 =	sadd.s32 $0x400, s20;
	(v2sf) =	vpush v2, $0x0  }
0x6b: {  	v5 =	vld [tilespmem:s1+$0x80];
	(v2sf) =	vpush v4, $0x0  }
0x6c: {  	(v2sf) =	vpush v8, $0x0  }
0x6d: {  	v7 =	vld [tilespmem:s19+$0x10];
	s3 =	sand.u32 $0x3, s22;
	s28 =	spop (v2sf);
	(v2sf) =	vpush v9, $0x0  }
0x6e: {  	s23 =	sshll.u32 s3, $0x5;
	s24 =	sand.u32 $0x3, s4  }
0x6f: {  	v10 =	vld [tilespmem:s1+$0x90];
	s0 =	sadd.s32 $0x500, s23;
	s2 =	sshll.u32 s24, $0x5  }
0x70: {  	s25 =	sadd.s32 $0x500, s2;
	v3 =	vsub.f32 v3, v5;
	v5 =	vld [tilespmem:s0+$0x0]  }
0x71: {  	s26 =	simm.s32 $0xC;
	v11 =	vld [tilespmem:s25+$0x80]  }
0x72: {  	v6 =	vld.msk [tilespmem:s26+$0x0], $0x1;
	v0 =	vand.u32 $0x7FFFFFFF, v7;
	v1 =	vand.u32 $0x7FFFFFFF, v3  }
0x73: {  	s3 =	sand.u32 $0x3, s28;
	s29 =	spop (v2sf);
	v3 =	vld [tilespmem:s0+$0x10];
	v0 =	vadd.f32 v1, v0  }
0x74: {  	v7 =	vld.msk [tilespmem:s26+$0x1], $0x1;
	v2 =	vand.u32 $0x7FFFFFFF, v10;
	s30 =	sshll.u32 s3, $0x5;
	s31 =	sand.u32 $0x3, s29  }
0x75: {  	s3 =	sadd.s32 $0x600, s30;
	s2 =	sshll.u32 s31, $0x5;
	v1 =	vld [tilespmem:s25+$0x90];
	v4 =	vsub.f32 v0, v2  }
0x76: {  	s1 =	simm.s32 $0x38;
	s0 =	simm.s32 $0x600;
	s2 =	sadd.s32 $0x600, s2;
	v0 =	vimm.f32 $0.0e+00;
	v2 =	vld [tilespmem:s3+$0x0];
	v5 =	vsub.f32 v5, v11  }
.LBB2_2:
0x77: {  	s4 =	sshra.s32 s1, $0x2;
	v8 =	vld [tilespmem:s2+$0x80];
	v4 =	vmax.f32 v4, $0.0e+00;
	v9 =	vmov v6;
	p0 =	sne.s32 s1, $0x1F8  }
.Ltmp0:
0x78: {  	v6 =	vld.msk [tilespmem:s4+$0x0], $0x1;
	s5 =	spop (v2sf);
	v11 =	vand.u32 $0x7FFFFFFF, v3;
	v5 =	vand.u32 $0x7FFFFFFF, v5;
	v4 =	vmul.f32 v4, v4;
	(pc) =	sbr.rel @p0 .LBB2_2-.Ltmp0, $4  }
0x79: {  	s5 =	sand.u32 $0x3, s5;
	s6 =	spop (v2sf);
	v3 =	vld [tilespmem:s3+$0x10];
	v5 =	vadd.f32 v5, v11;
	v10 =	vmov v7  }
0x7a: {  	s0 =	sadd.s32 $0x100, s0;
	v7 =	vld.msk [tilespmem:s4+$0x1], $0x1;
	s3 =	sshll.u32 s5, $0x5;
	s4 =	sand.u32 $0x3, s6;
	v11 =	vand.u32 $0x7FFFFFFF, v1;
	v0 =	vadd.f32 v4, v0  }
0x7b: {  	(v2sf) =	vpush v9, $0x0;
	s3 =	sadd.s32 s3, s0;
	s4 =	sshll.u32 s4, $0x5;
	v1 =	vld [tilespmem:s2+$0x90];
	v4 =	vsub.f32 v5, v11  }
0x7c: {  	s1 =	sadd.s32 $0x8, s1;
	(v2sf) =	vpush v10, $0x0;
	s2 =	sadd.s32 s4, s0;
	v5 =	vsub.f32 v2, v8;
	v2 =	vld [tilespmem:s3+$0x0]  }
0x7d: {  	s4 =	simm.s32 $0x0  }
0x7e: {  	s1 =	sand.u32 $0x78, s4  }
0x7f: {  	s5 =	simm.s32 $0x1;
	s11 =	sand.u32 $0x6, s4;
	s13 =	sor.u32 $0x80, s1  }
0x80: {  	s15 =	sand.u32 $0x7, s5;
	s14 =	sor.u32 s11, s13  }
0x81: {  	s6 =	spop (v2sf);
	(v2sf) =	vpush v6, $0x0;
	s18 =	sor.u32 s15, s13;
	v6 =	vld.msk [tilespmem:s14+$0x0], $0x1  }
0x82: {  	s0 =	sadd.s32 $0x100, s0;
	s25 =	simm.s32 $0x2;
	(v2sf) =	vpush v7, $0x0;
	v7 =	vld.msk [tilespmem:s18+$0x0], $0x1  }
0x83: {  	v8 =	vld [tilespmem:s2+$0x80];
	s16 =	sand.u32 $0x3, s6;
	s17 =	spop (v2sf);
	s10 =	sadd.s32 $0x100, s0  }
0x84: {  	v9 =	vld [tilespmem:s3+$0x10];
	[dreg:$0xd] =	wrdreg s1;
	s19 =	sshll.u32 s16, $0x5;
	s18 =	sand.u32 $0x78, s25  }
0x85: {  	v10 =	vld [tilespmem:s2+$0x90];
	s16 =	sand.u32 $0x6, s25;
	s21 =	sadd.s32 s19, s0;
	s7 =	sor.u32 $0x80, s18  }
0x86: {  	s20 =	sand.u32 $0x3, s17;
	s24 =	spop (v2sf);
	v11 =	vld [tilespmem:s21+$0x0];
	s8 =	sor.u32 s16, s7;
	(v2sf) =	vpush v6, $0x0  }
0x87: {  	s1 =	simm.s32 $0x3;
	s17 =	simm.s32 $0x4;
	s22 =	sshll.u32 s20, $0x5;
	(v2sf) =	vpush v7, $0x0;
	v7 =	vld.msk [tilespmem:s8+$0x0], $0x1  }
0x88: {  	s4 =	sand.u32 $0x3, s24;
	s13 =	sand.u32 $0x7, s1;
	s23 =	sadd.s32 s22, s0;
	v13 =	vld [tilespmem:s21+$0x10]  }
0x89: {  	s19 =	sand.u32 $0x78, s17;
	s4 =	sshll.u32 s4, $0x5;
	v12 =	vld [tilespmem:s23+$0x80];
	s12 =	sor.u32 s13, s7  }
0x8a: {  	s17 =	sand.u32 $0x6, s17;
	s21 =	sor.u32 $0x80, s19;
	s14 =	sadd.s32 s4, s10;
	v14 =	vld.msk [tilespmem:s12+$0x0], $0x1  }
0x8b: {  	v3 =	vand.u32 $0x7FFFFFFF, v3;
	v5 =	vand.u32 $0x7FFFFFFF, v5;
	s26 =	spop (v2sf);
	s22 =	sor.u32 s17, s21;
	v2 =	vsub.f32 v2, v8;
	v15 =	vld [tilespmem:s14+$0x0]  }
0x8c: {  	s6 =	sadd.s32 $0x100, s10;
	v3 =	vadd.f32 v5, v3;
	s9 =	sand.u32 $0x3, s26;
	s7 =	spop (v2sf);
	(v2sf) =	vpush v7, $0x0;
	v7 =	vld.msk [tilespmem:s22+$0x0], $0x1  }
0x8d: {  	s20 =	simm.s32 $0x5;
	v1 =	vand.u32 $0x7FFFFFFF, v1;
	s3 =	sshll.u32 s9, $0x5;
	v9 =	vand.u32 $0x7FFFFFFF, v9;
	v17 =	vld [tilespmem:s14+$0x10];
	s14 =	simm.s32 $0x6;
	v2 =	vand.u32 $0x7FFFFFFF, v2  }
0x8e: {  	v1 =	vsub.f32 v3, v1;
	v3 =	vmax.f32 v4, $0.0e+00;
	s3 =	sadd.s32 s3, s10;
	v2 =	vadd.f32 v2, v9;
	v6 =	vld [tilespmem:s23+$0x90];
	s23 =	sand.u32 $0x7, s20;
	s20 =	sand.u32 $0x78, s14  }
0x8f: {  	v3 =	vmul.f32 v3, v3;
	v10 =	vand.u32 $0x7FFFFFFF, v10;
	v16 =	vld [tilespmem:s3+$0x80];
	[dreg:$0xc] =	wrdreg s23;
	s26 =	sor.u32 s23, s21;
	s24 =	sand.u32 $0x3, s7;
	(v2sf) =	vpush v14, $0x0  }
0x90: {  	v1 =	vmax.f32 v1, $0.0e+00;
	v5 =	vld [tilespmem:s3+$0x90];
	v2 =	vsub.f32 v2, v10;
	s21 =	sand.u32 $0x6, s14;
	s25 =	spop (v2sf);
	s4 =	sshll.u32 s24, $0x5  }
0x91: {  	v0 =	vadd.f32 v3, v0;
	v1 =	vmul.f32 v1, v1;
	s23 =	sor.u32 $0x80, s20;
	v49 =	vld.msk [tilespmem:s26+$0x0], $0x1;
	s0 =	sand.u32 $0x3, s25;
	s1 =	sadd.s32 s4, s6;
	(v2sf) =	vpush v7, $0x0  }
0x92: {  	v4 =	vsub.f32 v11, v12;
	v2 =	vmax.f32 v2, $0.0e+00;
	s7 =	spop (v2sf);
	s5 =	sshll.u32 s0, $0x5;
	s0 =	sor.u32 s21, s23;
	v8 =	vld [tilespmem:s1+$0x0]  }
0x93: {  	v0 =	vadd.f32 v1, v0;
	v1 =	vmul.f32 v2, v2;
	s3 =	sand.u32 $0x3, s7;
	s4 =	sadd.s32 s5, s6;
	v2 =	vld.msk [tilespmem:s0+$0x0], $0x1  }
0x94: {  	s10 =	sadd.s32 $0x100, s6;
	v52 =	vand.u32 $0x7FFFFFFF, v13;
	v4 =	vand.u32 $0x7FFFFFFF, v4;
	s8 =	spop (v2sf);
	s9 =	sshll.u32 s3, $0x5;
	v50 =	vld [tilespmem:s4+$0x80]  }
0x95: {  	s12 =	simm.s32 $0x7;
	v4 =	vadd.f32 v4, v52;
	s5 =	sand.u32 $0x3, s8;
	s2 =	sadd.s32 s9, s10;
	v51 =	vld [tilespmem:s4+$0x90]  }
0x96: {  	[dreg:$0xb] =	wrdreg s20;
	s14 =	sand.u32 $0x7, s12;
	v3 =	vand.u32 $0x7FFFFFFF, v6;
	s5 =	sshll.u32 s5, $0x5;
	v53 =	vld [tilespmem:s2+$0x0]  }
0x97: {  	[dreg:$0xa] =	wrdreg s21;
	v3 =	vsub.f32 v4, v3;
	v4 =	vsub.f32 v15, v16;
	s0 =	simm.s32 $0xA;
	v7 =	vld [tilespmem:s1+$0x10];
	s3 =	sadd.s32 s5, s10  }
0x98: {  	s8 =	simm.s32 $0x8;
	s9 =	simm.s32 $0x9;
	(v2sf) =	vpush v49, $0x0;
	v54 =	vld [tilespmem:s3+$0x80];
	s22 =	spop (v2sf)  }
0x99: {  	v56 =	vand.u32 $0x7FFFFFFF, v17;
	v3 =	vmax.f32 v3, $0.0e+00;
	v4 =	vand.u32 $0x7FFFFFFF, v4;
	v6 =	vld [tilespmem:s2+$0x10];
	s2 =	sor.u32 s14, s23;
	s5 =	sand.u32 $0x3, s22;
	s26 =	spop (v2sf)  }
0x9a: {  	v0 =	vadd.f32 v1, v0;
	v1 =	vmul.f32 v3, v3;
	v3 =	vadd.f32 v4, v56;
	s4 =	sand.u32 $0x6, s8;
	v58 =	vld.msk [tilespmem:s2+$0x0], $0x1;
	s5 =	sshll.u32 s5, $0x5;
	s6 =	sand.u32 $0x3, s26  }
0x9b: {  	v5 =	vand.u32 $0x7FFFFFFF, v5;
	v55 =	vld [tilespmem:s3+$0x90];
	v8 =	vsub.f32 v8, v50;
	s22 =	sand.u32 $0x78, s8;
	s1 =	sadd.s32 $0x0, s5;
	s7 =	sshll.u32 s6, $0x5  }
0x9c: {  	s20 =	sand.u32 $0x7, s9;
	v0 =	vadd.f32 v1, v0;
	v1 =	vsub.f32 v3, v5;
	s10 =	sor.u32 $0x80, s22;
	v57 =	vld [tilespmem:s1+$0x4400];
	s5 =	sadd.s32 $0x0, s7  }
0x9d: {  	v5 =	vand.u32 $0x7FFFFFFF, v7;
	v7 =	vand.u32 $0x7FFFFFFF, v8;
	v8 =	vsub.f32 v53, v54;
	s12 =	sor.u32 s4, s10;
	s2 =	sor.u32 s20, s10;
	v4 =	vld [tilespmem:s5+$0x4480];
	s21 =	spop (v2sf)  }
0x9e: {  	v60 =	vld [tilespmem:s5+$0x4490];
	s5 =	sand.u32 $0x78, s0;
	s23 =	sand.u32 $0x3, s21;
	s26 =	spop (v2sf)  }
0x9f: {  	v6 =	vand.u32 $0x7FFFFFFF, v6;
	v3 =	vld [tilespmem:s1+$0x4410];
	v8 =	vand.u32 $0x7FFFFFFF, v8;
	s8 =	sor.u32 $0x80, s5;
	s3 =	sshll.u32 s23, $0x5;
	s6 =	sand.u32 $0x3, s26  }
0xa0: {  	v59 =	vld.msk [tilespmem:s12+$0x0], $0x1;
	v6 =	vadd.f32 v8, v6;
	s9 =	sshll.u32 s6, $0x5;
	s6 =	sand.u32 $0x6, s0;
	s10 =	spop (v2sf);
	(v2sf) =	vpush v2, $0x0  }
0xa1: {  	v61 =	vld.msk [tilespmem:s2+$0x0], $0x1;
	v8 =	vand.u32 $0x7FFFFFFF, v55;
	s1 =	sadd.s32 $0x100, s3;
	s3 =	sadd.s32 $0x100, s9;
	s9 =	sor.u32 s6, s8  }
0xa2: {  	v5 =	vadd.f32 v7, v5;
	v6 =	vsub.f32 v6, v8;
	v8 =	vld.msk [tilespmem:s9+$0x0], $0x1  }
0xa3: {  	v7 =	vand.u32 $0x7FFFFFFF, v51;
	(v2sf) =	vpush v58, $0x0  }
0xa4: {  	v5 =	vsub.f32 v5, v7  }
0xa5: {  	s28 =	simm.s32 $0xB;
	v1 =	vmax.f32 v1, $0.0e+00;
	v4 =	vsub.f32 v57, v4;
	v7 =	vld [tilespmem:s1+$0x4400];
	(v2sf) =	vpush v59, $0x0  }
0xa6: {  	s31 =	simm.s32 $0x1800;
	s29 =	simm.s32 $0xC00;
	s24 =	simm.s32 $0xC00;
	v1 =	vmul.f32 v1, v1;
	v5 =	vmax.f32 v5, $0.0e+00;
	v62 =	vld [tilespmem:s3+$0x4480];
	(v2sf) =	vpush v61, $0x0  }
0xa7: {  	s25 =	simm.s32 $0x1000;
	s21 =	simm.s32 $0xC;
	v3 =	vand.u32 $0x7FFFFFFF, v3;
	v4 =	vand.u32 $0x7FFFFFFF, v4;
	s12 =	spop (v2sf);
	(v2sf) =	vpush v8, $0x0  }
0xa8: {  	v0 =	vadd.f32 v1, v0;
	s7 =	sand.u32 $0x7, s28;
	v1 =	vmul.f32 v5, v5;
	s26 =	sand.u32 $0x78, s21;
	s2 =	sand.u32 $0x6, s21;
	v63 =	vld [tilespmem:s1+$0x4410];
	v3 =	vadd.f32 v4, v3  }
0xa9: {  	s21 =	simm.s32 $0xD;
	s8 =	sor.u32 s7, s8;
	v2 =	vmax.f32 v6, $0.0e+00;
	s10 =	sand.u32 $0x3, s10;
	v4 =	vand.u32 $0x7FFFFFFF, v60  }
0xaa: {  	v1 =	vadd.f32 v1, v0;
	v5 =	vld.msk [tilespmem:s8+$0x0], $0x1;
	s8 =	simm.s32 $0x1800;
	v2 =	vmul.f32 v2, v2;
	s9 =	sshll.u32 s10, $0x5;
	s10 =	sand.u32 $0x3, s12;
	v3 =	vsub.f32 v3, v4  }
0xab: {  	v0 =	vld [tilespmem:s3+$0x4490];
	s12 =	sadd.s32 $0x200, s9;
	s23 =	sshll.u32 s10, $0x5;
	s10 =	sor.u32 $0x80, s26;
	v7 =	vsub.f32 v7, v62  }
0xac: {  	s26 =	simm.s32 $0x1400;
	v1 =	vadd.f32 v2, v1;
	s9 =	simm.s32 $0x1400;
	s3 =	sadd.s32 $0x200, s23;
	v2 =	vld [tilespmem:s12+$0x4400];
	v3 =	vmax.f32 v3, $0.0e+00  }
0xad: {  	s30 =	sor.u32 s2, s10;
	s23 =	simm.s32 $0x1C00;
	s2 =	simm.s32 $0x1000;
	v6 =	vand.u32 $0x7FFFFFFF, v63;
	v4 =	vmul.f32 v3, v3;
	v3 =	vld [tilespmem:s3+$0x4480];
	v7 =	vand.u32 $0x7FFFFFFF, v7  }
.LBB2_4:
0xae: {  	p0 =	sne.s32 s23, $0xFC00  }
0xaf: {  	v8 =	vld.msk [tilespmem:s30+$0x0], $0x1;
	s30 =	sand.u32 $0x7, s21;
	s0 =	spop (v2sf);
	s1 =	smov.u32 s2  }
0xb0: {  	v6 =	vadd.f32 v7, v6;
	v1 =	vadd.f32 v4, v1;
	s2 =	smov.u32 s9;
	s9 =	smov.u32 s8;
	s21 =	sadd.s32 $0x2, s21  }
0xb1: {  	s8 =	smov.u32 s23;
	s29 =	sshra.s32 s29, $0x2;
	s10 =	sor.u32 s30, s10;
	(v2sf) =	vpush v5, $0x0;
	v7 =	vld [tilespmem:s12+$0x4410];
	v0 =	vand.u32 $0x7FFFFFFF, v0  }
.Ltmp1:
0xb2: {  	s0 =	sand.u32 $0x3, s0;
	v5 =	vld.msk [tilespmem:s10+$0x0], $0x1;
	s10 =	spop (v2sf);
	v4 =	vsub.f32 v6, v0;
	(pc) =	sbr.rel @p0 .LBB2_4-.Ltmp1, $4  }
0xb3: {  	s30 =	sadd.s32 $0xFFFFFFFF, s21;
	s0 =	sshll.u32 s0, $0x5;
	s10 =	sand.u32 $0x3, s10;
	v0 =	vld [tilespmem:s3+$0x4490]  }
0xb4: {  	s3 =	sand.u32 $0x78, s30;
	s12 =	sadd.s32 s29, s0;
	s0 =	sshll.u32 s10, $0x5;
	v9 =	vsub.f32 v2, v3;
	v3 =	vmax.f32 v4, $0.0e+00  }
0xb5: {  	s30 =	sand.u32 $0x6, s30;
	s10 =	sor.u32 $0x80, s3;
	v2 =	vld [tilespmem:s12+$0x4400];
	s3 =	sadd.s32 s29, s0;
	v4 =	vmul.f32 v3, v3  }
0xb6: {  	s23 =	sadd.s32 $0x400, s23;
	s30 =	sor.u32 s30, s10;
	s29 =	smov.u32 s1;
	(v2sf) =	vpush v8, $0x0;
	v3 =	vld [tilespmem:s3+$0x4480];
	v6 =	vand.u32 $0x7FFFFFFF, v7;
	v7 =	vand.u32 $0x7FFFFFFF, v9  }
0xb7: {  	s0 =	sand.u32 $0x7, s21  }
0xb8: {  	v8 =	vld.msk [tilespmem:s30+$0x0], $0x1;
	s0 =	sor.u32 s0, s10  }
0xb9: {  	s21 =	rddreg [dreg:$0xd];
	v9 =	vld.msk [tilespmem:s0+$0x0], $0x1  }
0xba: {  	s0 =	sor.u32 $0x100, s21  }
0xbb: {  	(v2sf) =	vpush v5, $0x0;
	s1 =	sor.u32 s11, s0  }
0xbc: {  	v5 =	vld.msk [tilespmem:s1+$0x0], $0x1  }
0xbd: {  	s23 =	spop (v2sf);
	v10 =	vld [tilespmem:s12+$0x4410];
	s12 =	sor.u32 $0x100, s18;
	s0 =	sor.u32 s15, s0;
	(v2sf) =	vpush v8, $0x0  }
0xbe: {  	s30 =	spop (v2sf);
	s1 =	sand.u32 $0x3, s23;
	s23 =	sor.u32 s13, s12;
	v8 =	vld.msk [tilespmem:s0+$0x0], $0x1;
	(v2sf) =	vpush v9, $0x0  }
0xbf: {  	s29 =	sshra.s32 s29, $0x2;
	s1 =	sshll.u32 s1, $0x5;
	v16 =	vld.msk [tilespmem:s23+$0x0], $0x1  }
0xc0: {  	s1 =	sadd.s32 s29, s1;
	v9 =	vld [tilespmem:s3+$0x4490]  }
0xc1: {  	s0 =	sand.u32 $0x3, s30;
	s30 =	sor.u32 $0x100, s19;
	v11 =	vld [tilespmem:s1+$0x4400];
	(v2sf) =	vpush v5, $0x0  }
0xc2: {  	s0 =	sshll.u32 s0, $0x5;
	s10 =	sor.u32 s17, s30;
	v12 =	vld [tilespmem:s1+$0x4410]  }
0xc3: {  	s11 =	spop (v2sf);
	v2 =	vsub.f32 v2, v3;
	s0 =	sadd.s32 s29, s0;
	v3 =	vld.msk [tilespmem:s10+$0x0], $0x1;
	(v2sf) =	vpush v8, $0x0  }
0xc4: {  	s18 =	sor.u32 s16, s12;
	s1 =	sand.u32 $0x3, s11;
	v13 =	vld [tilespmem:s0+$0x4490]  }
0xc5: {  	s15 =	sshra.s32 s2, $0x2;
	s1 =	sshll.u32 s1, $0x5;
	v5 =	vld [tilespmem:s0+$0x4480];
	s21 =	spop (v2sf)  }
0xc6: {  	s1 =	sadd.s32 s15, s1;
	v8 =	vld.msk [tilespmem:s18+$0x0], $0x1;
	s2 =	sand.u32 $0x3, s21  }
0xc7: {  	v6 =	vadd.f32 v7, v6;
	v14 =	vld [tilespmem:s1+$0x4400];
	s2 =	sshll.u32 s2, $0x5  }
0xc8: {  	v0 =	vand.u32 $0x7FFFFFFF, v0;
	v15 =	vld [tilespmem:s1+$0x4410];
	s0 =	sadd.s32 s15, s2;
	s29 =	spop (v2sf)  }
0xc9: {  	s9 =	sshra.s32 s9, $0x2;
	v0 =	vsub.f32 v6, v0;
	s13 =	rddreg [dreg:$0xc];
	v17 =	vld [tilespmem:s0+$0x4480];
	s1 =	sand.u32 $0x3, s29  }
0xca: {  	s2 =	sor.u32 s13, s30;
	v18 =	vld [tilespmem:s0+$0x4490];
	s11 =	spop (v2sf);
	s1 =	sshll.u32 s1, $0x5  }
0xcb: {  	v1 =	vadd.f32 v4, v1;
	v0 =	vmax.f32 v0, $0.0e+00;
	(v2sf) =	vpush v8, $0x0;
	v8 =	vld.msk [tilespmem:s2+$0x0], $0x1;
	s3 =	sand.u32 $0x3, s11;
	s1 =	sadd.s32 s9, s1  }
0xcc: {  	v7 =	vand.u32 $0x7FFFFFFF, v10;
	v2 =	vand.u32 $0x7FFFFFFF, v2;
	v4 =	vsub.f32 v11, v5;
	s12 =	sshll.u32 s3, $0x5;
	v5 =	vld [tilespmem:s1+$0x4400];
	s15 =	spop (v2sf)  }
0xcd: {  	v0 =	vmul.f32 v0, v0;
	v2 =	vadd.f32 v2, v7;
	v7 =	vand.u32 $0x7FFFFFFF, v9;
	v6 =	vld [tilespmem:s1+$0x4410];
	s0 =	sadd.s32 s9, s12;
	s16 =	sand.u32 $0x3, s15;
	s17 =	spop (v2sf)  }
0xce: {  	s18 =	sshra.s32 s8, $0x2;
	v9 =	vand.u32 $0x7FFFFFFF, v12;
	v10 =	vsub.f32 v14, v17;
	v11 =	vld [tilespmem:s0+$0x4480];
	(v2sf) =	vpush v16, $0x0;
	s1 =	sshll.u32 s16, $0x5;
	s2 =	sand.u32 $0x3, s17  }
0xcf: {  	v2 =	vsub.f32 v2, v7;
	v7 =	vand.u32 $0x7FFFFFFF, v15;
	v4 =	vand.u32 $0x7FFFFFFF, v4;
	v62 =	vld [tilespmem:s0+$0x4490];
	s19 =	sadd.s32 s18, s1;
	s21 =	sshll.u32 s2, $0x5  }
0xd0: {  	v4 =	vadd.f32 v4, v9;
	v9 =	vand.u32 $0x7FFFFFFF, v10;
	(v2sf) =	vpush v3, $0x0;
	v3 =	vld [tilespmem:s19+$0x4400];
	s23 =	spop (v2sf);
	s1 =	sadd.s32 s18, s21  }
0xd1: {  	v10 =	vand.u32 $0x7FFFFFFF, v13;
	v7 =	vadd.f32 v9, v7;
	(v2sf) =	vpush v8, $0x0;
	s2 =	sand.u32 $0x3, s23;
	v9 =	vld [tilespmem:s1+$0x4480]  }
0xd2: {  	v2 =	vmax.f32 v2, $0.0e+00;
	v4 =	vsub.f32 v4, v10;
	v63 =	vld [tilespmem:s19+$0x4410];
	s30 =	spop (v2sf);
	s29 =	sshll.u32 s2, $0x5  }
0xd3: {  	v0 =	vadd.f32 v0, v1;
	v1 =	vmul.f32 v2, v2;
	v10 =	vand.u32 $0x7FFFFFFF, v18;
	v8 =	vld [tilespmem:s1+$0x4490];
	s3 =	sand.u32 $0x3, s30;
	s0 =	sadd.s32 $0x0, s29  }
0xd4: {  	s9 =	rddreg [dreg:$0xb];
	v2 =	vsub.f32 v7, v10;
	v4 =	vmax.f32 v4, $0.0e+00;
	s1 =	sshll.u32 s3, $0x5;
	v7 =	vld [tilespmem:s0+$0x8400]  }
0xd5: {  	s10 =	rddreg [dreg:$0xa];
	v0 =	vadd.f32 v1, v0;
	v5 =	vsub.f32 v5, v11;
	v1 =	vmul.f32 v4, v4;
	v10 =	vld [tilespmem:s0+$0x8410];
	s8 =	sadd.s32 $0x0, s1;
	s0 =	sor.u32 $0x100, s9  }
0xd6: {  	v4 =	vand.u32 $0x7FFFFFFF, v6;
	v2 =	vmax.f32 v2, $0.0e+00;
	v6 =	vld [tilespmem:s8+$0x8480];
	s1 =	sor.u32 s10, s0;
	v3 =	vsub.f32 v3, v9  }
0xd7: {  	v5 =	vand.u32 $0x7FFFFFFF, v5;
	v0 =	vadd.f32 v1, v0;
	v1 =	vmul.f32 v2, v2;
	v11 =	vld.msk [tilespmem:s1+$0x0], $0x1  }
0xd8: {  	s11 =	sor.u32 $0x100, s22;
	v2 =	vadd.f32 v5, v4;
	v5 =	vand.u32 $0x7FFFFFFF, v63;
	s0 =	sor.u32 s14, s0;
	v9 =	vld [tilespmem:s8+$0x8490];
	v3 =	vand.u32 $0x7FFFFFFF, v3  }
0xd9: {  	s13 =	sor.u32 s4, s11;
	v4 =	vand.u32 $0x7FFFFFFF, v62;
	v3 =	vadd.f32 v3, v5;
	v5 =	vld.msk [tilespmem:s0+$0x0], $0x1  }
0xda: {  	v0 =	vadd.f32 v1, v0;
	v2 =	vsub.f32 v2, v4;
	s14 =	sor.u32 s20, s11;
	v1 =	vand.u32 $0x7FFFFFFF, v8;
	v8 =	vld.msk [tilespmem:s13+$0x0], $0x1  }
0xdb: {  	v1 =	vsub.f32 v3, v1;
	v3 =	vsub.f32 v7, v6;
	v6 =	vld.msk [tilespmem:s14+$0x0], $0x1  }
0xdc: {  	s12 =	spop (v2sf)  }
0xdd: {  	s2 =	sand.u32 $0x3, s12;
	v2 =	vmax.f32 v2, $0.0e+00;
	s16 =	spop (v2sf);
	(v2sf) =	vpush v11, $0x0  }
0xde: {  	s15 =	sshll.u32 s2, $0x5;
	v2 =	vmul.f32 v2, v2;
	(v2sf) =	vpush v5, $0x0  }
0xdf: {  	s17 =	sadd.s32 $0x100, s15;
	v4 =	vand.u32 $0x7FFFFFFF, v10;
	s18 =	sand.u32 $0x3, s16;
	s21 =	spop (v2sf);
	(v2sf) =	vpush v8, $0x0  }
0xe0: {  	v0 =	vadd.f32 v2, v0;
	v2 =	vld [tilespmem:s17+$0x8400];
	v7 =	vand.u32 $0x7FFFFFFF, v9;
	s1 =	sshll.u32 s18, $0x5;
	s30 =	spop (v2sf);
	(v2sf) =	vpush v6, $0x0  }
0xe1: {  	v9 =	vld [tilespmem:s17+$0x8410];
	v4 =	vadd.f32 v7, v4;
	s19 =	sadd.s32 $0x100, s1  }
0xe2: {  	v7 =	vand.u32 $0x7FFFFFFF, v3;
	v3 =	vld [tilespmem:s19+$0x8480]  }
0xe3: {  	v10 =	vsub.f32 v4, v7;
	v4 =	vld [tilespmem:s19+$0x8490]  }
0xe4: {  	s20 =	sor.u32 $0x100, s5;
	v1 =	vmax.f32 v1, $0.0e+00  }
0xe5: {  	s22 =	sor.u32 s6, s20;
	s2 =	sand.u32 $0x3, s21;
	v1 =	vmul.f32 v1, v1;
	v5 =	vmax.f32 v10, $0.0e+00  }
0xe6: {  	s23 =	sor.u32 s7, s20;
	v7 =	vld.msk [tilespmem:s22+$0x0], $0x1;
	s29 =	sshll.u32 s2, $0x5;
	v5 =	vmul.f32 v5, v5  }
0xe7: {  	s0 =	simm.s32 $0x200;
	s2 =	sand.u32 $0x3, s30;
	v8 =	vld.msk [tilespmem:s23+$0x0], $0x1;
	s1 =	sadd.s32 $0x200, s29;
	v0 =	vadd.f32 v1, v0;
	v1 =	vimm.f32 $0.0e+00;
	v6 =	vand.u32 $0x7FFFFFFF, v9  }
.LBB2_6:
0xe8: {  	p0 =	sne.s32 s31, $0xFC00;
	s2 =	sshll.u32 s2, $0x5;
	v4 =	vand.u32 $0x7FFFFFFF, v4;
	v9 =	vsub.f32 v2, v3;
	v2 =	vld [tilespmem:s1+$0x8400];
	v1 =	vadd.f32 v5, v1;
	s3 =	smov.u32 s24  }
0xe9: {  	s28 =	sadd.s32 $0x2, s28;
	s24 =	smov.u32 s25;
	v10 =	vld [tilespmem:s1+$0x8410];
	s1 =	sadd.s32 s0, s2;
	v5 =	vadd.f32 v4, v6  }
0xea: {  	s25 =	smov.u32 s26;
	s26 =	smov.u32 s31;
	s2 =	sadd.s32 $0xFFFFFFFF, s28;
	v3 =	vld [tilespmem:s1+$0x8480];
	v6 =	vand.u32 $0x7FFFFFFF, v9  }
.Ltmp2:
0xeb: {  	s0 =	sshra.s32 s3, $0x2;
	s4 =	sand.u32 $0x78, s2;
	v4 =	vld [tilespmem:s1+$0x8490];
	v5 =	vsub.f32 v5, v6;
	(pc) =	sbr.rel @p0 .LBB2_6-.Ltmp2, $4  }
0xec: {  	s1 =	sand.u32 $0x6, s2;
	s2 =	sor.u32 $0x100, s4;
	s3 =	spop (v2sf)  }
0xed: {  	s4 =	sand.u32 $0x7, s28;
	s1 =	sor.u32 s1, s2;
	(v2sf) =	vpush v7, $0x0;
	s3 =	sand.u32 $0x3, s3;
	v5 =	vmax.f32 v5, $0.0e+00  }
0xee: {  	v7 =	vld.msk [tilespmem:s1+$0x0], $0x1;
	s1 =	sor.u32 s4, s2;
	s2 =	sshll.u32 s3, $0x5;
	s3 =	spop (v2sf);
	v5 =	vmul.f32 v5, v5  }
0xef: {  	s31 =	sadd.s32 $0x400, s31;
	v6 =	vand.u32 $0x7FFFFFFF, v10;
	(v2sf) =	vpush v8, $0x0;
	v8 =	vld.msk [tilespmem:s1+$0x0], $0x1;
	s1 =	sadd.s32 s0, s2;
	s2 =	sand.u32 $0x3, s3  }
0xf0: {  	s3 =	simm.s32 $0x0  }
0xf1: {  	s4 =	sand.u32 $0x78, s3  }
0xf2: {  	s3 =	sand.u32 $0x6, s3;
	s4 =	sor.u32 $0x180, s4  }
0xf3: {  	s5 =	simm.s32 $0x1;
	s3 =	sor.u32 s3, s4  }
0xf4: {  	s2 =	sshll.u32 s2, $0x5;
	s7 =	simm.s32 $0x2;
	s5 =	sand.u32 $0x7, s5;
	(v2sf) =	vpush v7, $0x0;
	v9 =	vld.msk [tilespmem:s3+$0x0], $0x1  }
0xf5: {  	s8 =	sshra.s32 s24, $0x2;
	s14 =	simm.s32 $0x3;
	s4 =	sor.u32 s5, s4  }
0xf6: {  	s18 =	simm.s32 $0x4;
	s23 =	simm.s32 $0x5;
	s0 =	sadd.s32 s0, s2;
	v7 =	vld.msk [tilespmem:s4+$0x0], $0x1;
	(v2sf) =	vpush v8, $0x0  }
0xf7: {  	v10 =	vld [tilespmem:s1+$0x8410];
	s9 =	sand.u32 $0x78, s7;
	s11 =	sand.u32 $0x6, s7;
	s5 =	spop (v2sf)  }
0xf8: {  	v11 =	vld [tilespmem:s0+$0x8490];
	s12 =	sor.u32 $0x180, s9;
	s6 =	sand.u32 $0x3, s5;
	s5 =	sand.u32 $0x7, s14  }
0xf9: {  	s20 =	sand.u32 $0x78, s18;
	v8 =	vld [tilespmem:s1+$0x8400];
	s1 =	sshll.u32 s6, $0x5;
	s16 =	sor.u32 s5, s12;
	(v2sf) =	vpush v9, $0x0  }
0xfa: {  	s13 =	spop (v2sf);
	s10 =	sadd.s32 s8, s1;
	s1 =	sor.u32 s11, s12;
	v14 =	vld.msk [tilespmem:s16+$0x0], $0x1  }
0xfb: {  	s21 =	sor.u32 $0x180, s20;
	s4 =	sand.u32 $0x3, s13;
	s5 =	sand.u32 $0x7, s23;
	v12 =	vld.msk [tilespmem:s1+$0x0], $0x1;
	(v2sf) =	vpush v7, $0x0  }
0xfc: {  	v4 =	vand.u32 $0x7FFFFFFF, v4;
	s4 =	sshll.u32 s4, $0x5;
	s28 =	sor.u32 s5, s21;
	v13 =	vld [tilespmem:s10+$0x8410]  }
0xfd: {  	v4 =	vadd.f32 v4, v6;
	s17 =	sadd.s32 s8, s4;
	v6 =	vld.msk [tilespmem:s28+$0x0], $0x1  }
0xfe: {  	v15 =	vld [tilespmem:s17+$0x8480]  }
0xff: {  	v2 =	vsub.f32 v2, v3;
	v16 =	vld [tilespmem:s17+$0x8490];
	s15 =	spop (v2sf)  }
0x100: {  	s19 =	sshra.s32 s25, $0x2;
	v9 =	vld [tilespmem:s0+$0x8480];
	s0 =	sand.u32 $0x6, s18;
	s1 =	sand.u32 $0x3, s15  }
0x101: {  	v2 =	vand.u32 $0x7FFFFFFF, v2;
	v7 =	vld [tilespmem:s10+$0x8400];
	s0 =	sor.u32 s0, s21;
	s1 =	sshll.u32 s1, $0x5;
	s22 =	spop (v2sf)  }
0x102: {  	v2 =	vsub.f32 v4, v2;
	v3 =	vld.msk [tilespmem:s0+$0x0], $0x1;
	s1 =	sadd.s32 s19, s1;
	s4 =	sand.u32 $0x3, s22  }
0x103: {  	v60 =	vld [tilespmem:s1+$0x8400];
	s24 =	sshll.u32 s4, $0x5;
	s25 =	spop (v2sf)  }
0x104: {  	v1 =	vadd.f32 v5, v1;
	v10 =	vand.u32 $0x7FFFFFFF, v10;
	v2 =	vmax.f32 v2, $0.0e+00;
	v61 =	vld [tilespmem:s1+$0x8410];
	s0 =	sadd.s32 s19, s24;
	s29 =	sand.u32 $0x3, s25  }
0x105: {  	s31 =	sshra.s32 s26, $0x2;
	v11 =	vand.u32 $0x7FFFFFFF, v11;
	(v2sf) =	vpush v12, $0x0;
	v8 =	vsub.f32 v8, v9;
	v9 =	vld [tilespmem:s0+$0x8480];
	s30 =	spop (v2sf);
	s2 =	sshll.u32 s29, $0x5  }
0x106: {  	v2 =	vmul.f32 v2, v2;
	v4 =	vadd.f32 v11, v10;
	(v2sf) =	vpush v14, $0x0;
	v10 =	vld [tilespmem:s0+$0x8490];
	s1 =	sand.u32 $0x3, s30;
	s2 =	sadd.s32 s31, s2  }
0x107: {  	v11 =	vand.u32 $0x7FFFFFFF, v16;
	v8 =	vand.u32 $0x7FFFFFFF, v8;
	(v2sf) =	vpush v3, $0x0;
	s1 =	sshll.u32 s1, $0x5;
	v3 =	vld [tilespmem:s2+$0x8400]  }
0x108: {  	v7 =	vsub.f32 v7, v15;
	v4 =	vsub.f32 v4, v8;
	v8 =	vand.u32 $0x7FFFFFFF, v13;
	v5 =	vld [tilespmem:s2+$0x8410];
	s5 =	sadd.s32 s31, s1;
	s4 =	spop (v2sf)  }
0x109: {  	v8 =	vadd.f32 v11, v8;
	v11 =	vld [tilespmem:s5+$0x8490];
	(v2sf) =	vpush v6, $0x0;
	s6 =	sand.u32 $0x3, s4  }
0x10a: {  	v1 =	vadd.f32 v2, v1;
	v2 =	vand.u32 $0x7FFFFFFF, v7;
	v6 =	vld [tilespmem:s5+$0x8480];
	s7 =	spop (v2sf);
	s1 =	sshll.u32 s6, $0x5  }
0x10b: {  	v62 =	vand.u32 $0x7FFFFFFF, v61;
	v10 =	vand.u32 $0x7FFFFFFF, v10;
	v9 =	vsub.f32 v60, v9;
	s2 =	sand.u32 $0x3, s7;
	s1 =	sadd.s32 $0x0, s1  }
0x10c: {  	s9 =	simm.s32 $0x7;
	s8 =	simm.s32 $0x6;
	v2 =	vsub.f32 v8, v2;
	v7 =	vadd.f32 v10, v62;
	s2 =	sshll.u32 s2, $0x5;
	v63 =	vld [tilespmem:s1+$0xC400]  }
0x10d: {  	s14 =	simm.s32 $0x8;
	s10 =	sand.u32 $0x78, s8;
	v4 =	vmax.f32 v4, $0.0e+00;
	v8 =	vand.u32 $0x7FFFFFFF, v9;
	v10 =	vld [tilespmem:s1+$0xC410];
	s11 =	sadd.s32 $0x0, s2  }
0x10e: {  	s16 =	sand.u32 $0x6, s14;
	s12 =	sand.u32 $0x6, s8;
	s13 =	sor.u32 $0x180, s10;
	v4 =	vmul.f32 v4, v4;
	v2 =	vmax.f32 v2, $0.0e+00;
	v7 =	vsub.f32 v7, v8;
	v9 =	vld [tilespmem:s11+$0xC480]  }
0x10f: {  	s4 =	sand.u32 $0x7, s9;
	s6 =	sand.u32 $0x78, s14;
	v5 =	vand.u32 $0x7FFFFFFF, v5;
	s2 =	sor.u32 s12, s13;
	v8 =	vand.u32 $0x7FFFFFFF, v11;
	v3 =	vsub.f32 v3, v6;
	v6 =	vld [tilespmem:s11+$0xC490]  }
0x110: {  	s15 =	simm.s32 $0x9;
	v1 =	vadd.f32 v4, v1;
	v2 =	vmul.f32 v2, v2;
	s3 =	sor.u32 s4, s13;
	s17 =	sor.u32 $0x180, s6;
	v4 =	vadd.f32 v8, v5;
	v5 =	vld.msk [tilespmem:s2+$0x0], $0x1  }
0x111: {  	s19 =	sand.u32 $0x7, s15;
	v7 =	vmax.f32 v7, $0.0e+00;
	v8 =	vld.msk [tilespmem:s3+$0x0], $0x1;
	s2 =	sor.u32 s16, s17  }
0x112: {  	v1 =	vadd.f32 v2, v1;
	s21 =	sor.u32 s19, s17;
	v2 =	vmul.f32 v7, v7;
	v7 =	vld.msk [tilespmem:s2+$0x0], $0x1;
	v3 =	vand.u32 $0x7FFFFFFF, v3  }
0x113: {  	v3 =	vsub.f32 v4, v3;
	v4 =	vsub.f32 v63, v9;
	v9 =	vld.msk [tilespmem:s21+$0x0], $0x1  }
0x114: {  	s18 =	spop (v2sf)  }
0x115: {  	s20 =	sand.u32 $0x3, s18;
	s23 =	spop (v2sf);
	(v2sf) =	vpush v5, $0x0  }
0x116: {  	s22 =	sshll.u32 s20, $0x5;
	s8 =	spop (v2sf);
	(v2sf) =	vpush v8, $0x0  }
0x117: {  	s24 =	sand.u32 $0x3, s23;
	v1 =	vadd.f32 v2, v1;
	s3 =	sadd.s32 $0x100, s22;
	(v2sf) =	vpush v7, $0x0  }
0x118: {  	s5 =	sshll.u32 s24, $0x5;
	v10 =	vand.u32 $0x7FFFFFFF, v10;
	v2 =	vld [tilespmem:s3+$0xC400];
	v6 =	vand.u32 $0x7FFFFFFF, v6;
	s31 =	spop (v2sf);
	(v2sf) =	vpush v9, $0x0  }
0x119: {  	s5 =	sadd.s32 $0x100, s5;
	v3 =	vmax.f32 v3, $0.0e+00;
	v6 =	vadd.f32 v6, v10;
	v10 =	vld [tilespmem:s3+$0xC410]  }
0x11a: {  	s0 =	simm.s32 $0xC00;
	s25 =	simm.s32 $0xA;
	v5 =	vmul.f32 v3, v3;
	v3 =	vld [tilespmem:s5+$0xC480];
	v4 =	vand.u32 $0x7FFFFFFF, v4  }
0x11b: {  	s4 =	simm.s32 $0x1400;
	s7 =	sand.u32 $0x78, s25;
	s2 =	simm.s32 $0xB;
	v6 =	vsub.f32 v6, v4;
	v4 =	vld [tilespmem:s5+$0xC490]  }
0x11c: {  	s7 =	sor.u32 $0x180, s7;
	s28 =	sand.u32 $0x7, s2;
	s8 =	sand.u32 $0x3, s8  }
0x11d: {  	s6 =	sand.u32 $0x6, s25;
	s29 =	sor.u32 s28, s7;
	s30 =	sshll.u32 s8, $0x5;
	v1 =	vadd.f32 v5, v1;
	v5 =	vmax.f32 v6, $0.0e+00  }
0x11e: {  	s1 =	simm.s32 $0x1000;
	s26 =	sor.u32 s6, s7;
	s6 =	sadd.s32 $0x200, s30;
	v7 =	vld.msk [tilespmem:s29+$0x0], $0x1;
	v5 =	vmul.f32 v5, v5  }
0x11f: {  	s3 =	simm.s32 $0x200;
	s5 =	simm.s32 $0x1800;
	v6 =	vld.msk [tilespmem:s26+$0x0], $0x1;
	s7 =	sand.u32 $0x3, s31;
	v8 =	vand.u32 $0x7FFFFFFF, v10  }
.LBB2_8:
0x120: {  	p0 =	sne.s32 s5, $0xFC00;
	s7 =	sshll.u32 s7, $0x5;
	v4 =	vand.u32 $0x7FFFFFFF, v4;
	v9 =	vsub.f32 v2, v3;
	v2 =	vld [tilespmem:s6+$0xC400];
	v1 =	vadd.f32 v5, v1;
	s8 =	smov.u32 s0  }
0x121: {  	s2 =	sadd.s32 $0x2, s2;
	s0 =	smov.u32 s1;
	v10 =	vld [tilespmem:s6+$0xC410];
	s6 =	sadd.s32 s3, s7;
	v5 =	vadd.f32 v4, v8  }
0x122: {  	s1 =	smov.u32 s4;
	s4 =	smov.u32 s5;
	s7 =	sadd.s32 $0xFFFFFFFF, s2;
	v3 =	vld [tilespmem:s6+$0xC480];
	v8 =	vand.u32 $0x7FFFFFFF, v9  }
.Ltmp3:
0x123: {  	s3 =	sshra.s32 s8, $0x2;
	s9 =	sand.u32 $0x78, s7;
	v4 =	vld [tilespmem:s6+$0xC490];
	v5 =	vsub.f32 v5, v8;
	(pc) =	sbr.rel @p0 .LBB2_8-.Ltmp3, $4  }
0x124: {  	s6 =	sand.u32 $0x6, s7;
	s7 =	sor.u32 $0x180, s9;
	s8 =	spop (v2sf)  }
0x125: {  	s9 =	sand.u32 $0x7, s2;
	s6 =	sor.u32 s6, s7;
	(v2sf) =	vpush v6, $0x0;
	s8 =	sand.u32 $0x3, s8;
	v5 =	vmax.f32 v5, $0.0e+00  }
0x126: {  	v6 =	vld.msk [tilespmem:s6+$0x0], $0x1;
	s6 =	sor.u32 s9, s7;
	s7 =	sshll.u32 s8, $0x5;
	s8 =	spop (v2sf);
	v5 =	vmul.f32 v5, v5  }
0x127: {  	s5 =	sadd.s32 $0x400, s5;
	v8 =	vand.u32 $0x7FFFFFFF, v10;
	(v2sf) =	vpush v7, $0x0;
	v7 =	vld.msk [tilespmem:s6+$0x0], $0x1;
	s6 =	sadd.s32 s3, s7;
	s7 =	sand.u32 $0x3, s8  }
0x128: {  	_ =	sdelay $0x2  }
0x129: {  	(v2sf) =	vpush v6, $0x0;
	_ =	sdelay $0x1  }
0x12a: {  	(v2sf) =	vpush v7, $0x0;
	_ =	sdelay $0x4  }
0x12b: {  	s2 =	spop (v2sf);
	v43 =	vld [tilespmem:s6+$0xC400];
	s5 =	sshll.u32 s7, $0x5  }
0x12c: {  	v44 =	vld [tilespmem:s6+$0xC410];
	s3 =	sadd.s32 s3, s5;
	s2 =	sand.u32 $0x3, s2  }
0x12d: {  	s0 =	sshra.s32 s0, $0x2;
	s12 =	spop (v2sf);
	v9 =	vld [tilespmem:s3+$0xC480];
	s2 =	sshll.u32 s2, $0x5  }
0x12e: {  	v10 =	vld [tilespmem:s3+$0xC490];
	s13 =	sand.u32 $0x3, s12;
	s2 =	sadd.s32 s0, s2  }
0x12f: {  	s3 =	sshll.u32 s13, $0x5;
	v11 =	vld [tilespmem:s2+$0xC400];
	s14 =	spop (v2sf)  }
0x130: {  	v12 =	vld [tilespmem:s2+$0xC410];
	s0 =	sadd.s32 s0, s3;
	s15 =	sand.u32 $0x3, s14  }
0x131: {  	s1 =	sshra.s32 s1, $0x2;
	v13 =	vld [tilespmem:s0+$0xC480];
	s2 =	sshll.u32 s15, $0x5;
	s16 =	spop (v2sf)  }
0x132: {  	v45 =	vld [tilespmem:s0+$0xC490];
	s17 =	sadd.s32 s1, s2;
	s18 =	sand.u32 $0x3, s16  }
0x133: {  	v4 =	vand.u32 $0x7FFFFFFF, v4;
	v2 =	vsub.f32 v2, v3;
	v46 =	vld [tilespmem:s17+$0xC400];
	s2 =	sshll.u32 s18, $0x5;
	s19 =	spop (v2sf)  }
0x134: {  	v4 =	vadd.f32 v4, v8;
	v14 =	vld [tilespmem:s17+$0xC410];
	s20 =	sadd.s32 s1, s2;
	s21 =	sand.u32 $0x3, s19  }
0x135: {  	s22 =	sshra.s32 s4, $0x2;
	v2 =	vand.u32 $0x7FFFFFFF, v2;
	v47 =	vld [tilespmem:s20+$0xC480];
	s23 =	spop (v2sf);
	s1 =	sshll.u32 s21, $0x5  }
0x136: {  	v2 =	vsub.f32 v4, v2;
	v48 =	vld [tilespmem:s20+$0xC490];
	s25 =	sand.u32 $0x3, s23;
	s24 =	sadd.s32 s22, s1  }
0x137: {  	v7 =	vand.u32 $0x7FFFFFFF, v44;
	v10 =	vand.u32 $0x7FFFFFFF, v10;
	v6 =	vsub.f32 v43, v9;
	s1 =	sshll.u32 s25, $0x5;
	v15 =	vld [tilespmem:s24+$0xC400]  }
0x138: {  	v1 =	vadd.f32 v5, v1;
	v2 =	vmax.f32 v2, $0.0e+00;
	v7 =	vadd.f32 v10, v7;
	v49 =	vld [tilespmem:s24+$0xC410];
	s26 =	sadd.s32 s22, s1  }
0x139: {  	v2 =	vmul.f32 v2, v2;
	v50 =	vand.u32 $0x7FFFFFFF, v12;
	v6 =	vand.u32 $0x7FFFFFFF, v6;
	v51 =	vld [tilespmem:s26+$0xC480]  }
0x13a: {  	v3 =	vand.u32 $0x7FFFFFFF, v45;
	v11 =	vsub.f32 v11, v13;
	v53 =	vsub.f32 v7, v6;
	v52 =	vld [tilespmem:s26+$0xC490]  }
0x13b: {  	v1 =	vadd.f32 v2, v1;
	v3 =	vadd.f32 v3, v50  }
0x13c: {  	v54 =	vand.u32 $0x7FFFFFFF, v11;
	v2 =	vmax.f32 v53, $0.0e+00;
	v4 =	vsub.f32 v46, v47  }
0x13d: {  	v3 =	vsub.f32 v3, v54;
	v55 =	vand.u32 $0x7FFFFFFF, v14;
	v5 =	vand.u32 $0x7FFFFFFF, v48  }
0x13e: {  	v2 =	vmul.f32 v2, v2;
	v5 =	vadd.f32 v5, v55;
	v4 =	vand.u32 $0x7FFFFFFF, v4  }
0x13f: {  	v56 =	vand.u32 $0x7FFFFFFF, v49;
	v57 =	vand.u32 $0x7FFFFFFF, v52;
	v58 =	vsub.f32 v15, v51  }
0x140: {  	v3 =	vmax.f32 v3, $0.0e+00;
	v4 =	vsub.f32 v5, v4;
	v59 =	vadd.f32 v57, v56  }
0x141: {  	v1 =	vadd.f32 v2, v1;
	v60 =	vmul.f32 v3, v3;
	v61 =	vand.u32 $0x7FFFFFFF, v58  }
0x142: {  	v4 =	vmax.f32 v4, $0.0e+00;
	v3 =	vsub.f32 v59, v61  }
0x143: {  	v1 =	vadd.f32 v60, v1;
	v62 =	vmul.f32 v4, v4  }
0x144: {  	v3 =	vmax.f32 v3, $0.0e+00  }
0x145: {  	v1 =	vadd.f32 v62, v1;
	v63 =	vmul.f32 v3, v3;
	_ =	sdelay $0x1  }
0x146: {  	v1 =	vadd.f32 v63, v1  }
0x147: {  	s6 =	simm.s32 $0x0;
	[tilespmem:$0x10400] =	vst v0  }
0x148: {  	s28 =	rddreg [dreg:$0x7];
	s29 =	simm.s32 $0x10400;
	s1 =	simm.s32 $0x2;
	[tilespmem:$0x10410] =	vst v1  }
0x149: {  	[hbm4b:s28+s6] =	stream.linear.scatter [tilespmem:s29], [sflag:$0x2], $0x20, $0x38;
	[tilespmem:$0x10420] =	vst v63  }
0x14a: {  	_ =	swait.ge [sflag:s1], $0x20  }
0x14b: {  	s30 =	rddreg [dreg:$0x9]  }
0x14c: {  	s31 =	rddreg [dreg:$0x8];
	s2 =	sadd.s32 $0x1, s30  }
0x14d: {  	p0 =	sne.s32 s2, s31  }
.Ltmp4:
0x14e: {  	_ = 	snop;
	(pc) =	sbr.rel @p0 .LBB2_1-.Ltmp4, $3  }
0x14f: {  	_ =	sdelay $0x1  }
0x150: {  	[sflag:s1] =	ssyncset.done $0x0  }
0x151: {  	[sflag:s1] =	ssyncadd.s32 $0xFFFFFFE0  }
0x152: {  	_ =	sfence.sel $0x180000  }
0x153: {  	[bflag:$0x0] =	sbarrier.arrive $0xFFFF  }
0x154: {  	_ =	strace $0x90000047  }
0x155: {  	s0 =	stileid.u32;
	[bflag:$0x2] =	sbarrier.arrive $0xFFFF  }
0x156: {  	p0 =	sne.s32 s0, $0x0;
	s0 =	rddreg [dreg:$0x1]  }
0x157: {  	s0 =	sadd.s32 @!p0 $0x100000, s0  }
0x158: {  	[sflag:s0] =	ssyncadd.tile.s32 @!p0 $0x1;
	_ =	shalt  }
.Lfunc_end2:
_tile_overlayer_lowered:
.L_overlay_start_2:
0x159: {  	(tag) =	ssettag $0x2  }
0x15a: {  	s0 =	rddreg [dreg:$0x0];
	s2 =	stileid.u32  }
0x15b: {  	s1 =	rddreg [dreg:$0x1];
	p0 =	sne.s32 s2, $0x0  }
0x15c: {  	s3 =	rddreg [dreg:$0x2];
	[bflag:$0x3] =	sbarrier.arrive $0xFFFF;
	s2 =	simm.s32 @!p0 $0x1C02  }
0x15d: {  	[timem:s3], [sflag:s2] =	dma.local @!p0 [hbm:s0], s1  }
0x15e: {  	s0 =	simm.s32 @!p0 $0x2  }
0x15f: {  	_ =	swait.ge @!p0 [sflag:s0], s1  }
0x160: {  	s1 =	ssub.s32 @!p0 $0x0, s1;
	[sflag:s0] =	ssyncset.done @!p0 $0x0  }
0x161: {  	[sflag:s0] =	ssyncadd.s32 @!p0 s1  }
0x162: {  	[bflag:$0x3] =	sbarrier.arrive $0xFFFF  }
0x163: {  	_ =	shalt  }

</sc_bundles>
